<compile_context>
chip_gen: v7x
topology: tpu7x:2x2x1
jax: 0.10.2.dev20260603
libtpu: 0.0.44.dev20260713+nightly
codegen_flags: <defaults>
</compile_context>

<pallas_src>
import functools

import jax
import jax.numpy as jnp
from jax import lax
from jax.experimental import pallas as pl
from jax.experimental.pallas import tpu as pltpu
from jax.experimental.pallas import tpu_sc as plsc

N = 512
D = 256
K = 10000
KN = 32
TEMP = 0.2
NEG_TOTAL = N * KN



def _sc_meta(idx, centroids, label_bank, loss_weight):
  info = plsc.get_sparse_core_info()
  nc, ns = info.num_cores, info.num_subcores
  nw = nc * ns
  b_per_w = N // nw

  mesh = plsc.VectorSubcoreMesh(core_axis_name="c", subcore_axis_name="s")

  @functools.partial(
      pl.kernel,
      out_type=(
          jax.ShapeDtypeStruct((N,), jnp.int32),
          jax.ShapeDtypeStruct((N,), jnp.float32),
          jax.ShapeDtypeStruct((N, D), jnp.float32),
      ),
      mesh=mesh,
      scratch_types=[
          pltpu.VMEM((b_per_w,), jnp.int32),
          pltpu.VMEM((b_per_w,), jnp.int32),
          pltpu.VMEM((b_per_w,), jnp.float32),
          pltpu.VMEM((b_per_w, D), jnp.float32),
          pltpu.SemaphoreType.DMA,
      ],
  )
  def sc_kernel(idx_hbm, cent_hbm, lbank_hbm, lw_hbm,
                labels_out, w_out, pos_out,
                idx_v, labels_v, w_v, pos_v, sem):
    wid = lax.axis_index("s") * nc + lax.axis_index("c")
    base = wid * b_per_w
    pltpu.sync_copy(idx_hbm.at[pl.ds(base, b_per_w)], idx_v)
    pltpu.async_copy(lbank_hbm.at[idx_v], labels_v, sem).wait()
    pltpu.sync_copy(labels_v, labels_out.at[pl.ds(base, b_per_w)])
    pltpu.async_copy(lw_hbm.at[labels_v], w_v, sem).wait()
    pltpu.sync_copy(w_v, w_out.at[pl.ds(base, b_per_w)])
    pltpu.async_copy(cent_hbm.at[labels_v], pos_v, sem).wait()
    pltpu.sync_copy(pos_v, pos_out.at[pl.ds(base, b_per_w)])

  return sc_kernel(idx, centroids, label_bank, loss_weight)


def _sc_neg(neg_idx_flat, centroids):
  info = plsc.get_sparse_core_info()
  nc, ns = info.num_cores, info.num_subcores
  nw = nc * ns
  neg_per_w = NEG_TOTAL // nw
  nchunk = 128
  nloops = neg_per_w // nchunk

  mesh = plsc.VectorSubcoreMesh(core_axis_name="c", subcore_axis_name="s")

  @functools.partial(
      pl.kernel,
      out_type=jax.ShapeDtypeStruct((NEG_TOTAL, D), jnp.float32),
      mesh=mesh,
      scratch_types=[
          pltpu.VMEM((neg_per_w,), jnp.int32),
          pltpu.VMEM((nchunk, D), jnp.float32),
          pltpu.VMEM((nchunk, D), jnp.float32),
          pltpu.SemaphoreType.DMA,
          pltpu.SemaphoreType.DMA,
      ],
  )
  def sc_kernel(negidx_hbm, cent_hbm, neg_out,
                nidx_v, rows_a, rows_b, sem_a, sem_b):
    wid = lax.axis_index("s") * nc + lax.axis_index("c")
    nbase = wid * neg_per_w
    pltpu.sync_copy(negidx_hbm.at[pl.ds(nbase, neg_per_w)], nidx_v)
    bufs = (rows_a, rows_b)
    sems = (sem_a, sem_b)
    copies = [None, None]
    for c in range(nloops):
      b = c % 2
      copies[b] = pltpu.async_copy(
          cent_hbm.at[nidx_v.at[pl.ds(c * nchunk, nchunk)]], bufs[b], sems[b])
      if c >= 1:
        pb = (c - 1) % 2
        copies[pb].wait()
        pltpu.sync_copy(bufs[pb],
                        neg_out.at[pl.ds(nbase + (c - 1) * nchunk, nchunk)])
    last = (nloops - 1) % 2
    copies[last].wait()
    pltpu.sync_copy(bufs[last],
                    neg_out.at[pl.ds(nbase + (nloops - 1) * nchunk, nchunk)])

  return sc_kernel(neg_idx_flat, centroids)



_BK = 1024
_NFULL = K // _BK
_KT = K - _NFULL * _BK


def _tc1_body(z_ref, fo_ref, lab_ref, w_ref, hw_ref, hb_ref, out_ref):
  m = 2 * N
  z = z_ref[...]
  zn = z / (jnp.sqrt(jnp.sum(z * z, axis=1, keepdims=True)) + 1e-10)
  znb = zn.astype(jnp.bfloat16)
  s = lax.dot_general(znb, znb, (((1,), (1,)), ((), ())),
                      preferred_element_type=jnp.float32)
  r = lax.broadcasted_iota(jnp.int32, (m, m), 0)
  c = lax.broadcasted_iota(jnp.int32, (m, m), 1)
  sm = jnp.where(r == c, jnp.float32(-1e30), s * (1.0 / TEMP))
  lse_i = jnp.log(jnp.sum(jnp.exp(sm), axis=1, keepdims=True))
  pos = jnp.sum(jnp.where((r ^ 1) == c, s, 0.0), axis=1, keepdims=True)
  l_ins = jnp.sum(lse_i - pos * (1.0 / TEMP)) / m

  fo_bf = fo_ref[...].astype(jnp.bfloat16)
  lab = lab_ref[...]
  blk = lab // _BK
  posm = lax.broadcasted_iota(jnp.int32, (N, _BK), 1) == (lab - blk * _BK)
  s_tot = jnp.zeros((N, 1), jnp.float32)
  lab_tot = jnp.zeros((N, 1), jnp.float32)
  bounds = [(i * _BK, _BK) for i in range(_NFULL)] + [(_NFULL * _BK, _KT)]
  for b, (lo, width) in enumerate(bounds):
    scores = jnp.dot(fo_bf, hw_ref[:, lo:lo + width],
                     preferred_element_type=jnp.float32) + hb_ref[:, lo:lo + width]
    t = jnp.sum(jnp.where(posm[:, :width], scores, 0.0),
                axis=1, keepdims=True)
    lab_tot = lab_tot + jnp.where(blk == b, t, 0.0)
    s_tot = s_tot + jnp.sum(jnp.exp(scores), axis=1, keepdims=True)

  nll = jnp.log(s_tot) - lab_tot
  wv = w_ref[...]
  l_cls = jnp.sum(wv * nll) / jnp.sum(wv)
  out_ref[...] = jnp.reshape(l_ins + l_cls, (1, 1))


def _tc1(z, f_odc, labels, w, hw_bf, hb2, interpret=False):
  return pl.pallas_call(
      _tc1_body,
      out_shape=jax.ShapeDtypeStruct((1, 1), jnp.float32),
      interpret=interpret,
  )(z, f_odc, labels, w, hw_bf, hb2)



_CCH = 128
_CG = N // _CCH


def _tc2_body(fo_ref, fc_ref, pos_ref, neg_ref, p1_ref, out_ref, acc_sc):
  pid = pl.program_id(0)

  @pl.when(pid == 0)
  def _():
    acc_sc[...] = jnp.zeros((1, 1), jnp.float32)

  fo = fo_ref[...]
  fc = fc_ref[...]
  pc = pos_ref[...]
  fon = fo / jnp.sqrt(jnp.sum(fo * fo, axis=1, keepdims=True))
  fcn = fc / jnp.sqrt(jnp.sum(fc * fc, axis=1, keepdims=True))
  pcn = pc / jnp.sqrt(jnp.sum(pc * pc, axis=1, keepdims=True))
  p1 = jnp.sum(fon * pcn, axis=1, keepdims=True) * (1.0 / TEMP)
  p2 = jnp.sum(fcn * pcn, axis=1, keepdims=True) * (1.0 / TEMP)

  ncg = jnp.reshape(neg_ref[...], (_CCH, KN, D))
  ncb = ncg.astype(jnp.bfloat16)
  nss = jnp.sum(ncg * ncg, axis=2)
  inv = lax.rsqrt(nss)
  fon_b = fon.astype(jnp.bfloat16)
  fcn_b = fcn.astype(jnp.bfloat16)
  d1 = jnp.sum((fon_b[:, None, :] * ncb).astype(jnp.float32),
               axis=2) * inv * (1.0 / TEMP)
  d2 = jnp.sum((fcn_b[:, None, :] * ncb).astype(jnp.float32),
               axis=2) * inv * (1.0 / TEMP)
  lse1 = jnp.log(jnp.exp(p1) + jnp.sum(jnp.exp(d1), axis=1, keepdims=True))
  lse2 = jnp.log(jnp.exp(p2) + jnp.sum(jnp.exp(d2), axis=1, keepdims=True))
  acc_sc[...] = acc_sc[...] + jnp.reshape(
      jnp.sum(lse1 - p1) + jnp.sum(lse2 - p2), (1, 1))

  @pl.when(pid == _CG - 1)
  def _():
    out_ref[...] = p1_ref[...] + acc_sc[...] * (1.0 / N)


def _tc2(f_odc, f_cts, pos_c, neg_c, part1, interpret=False):
  return pl.pallas_call(
      _tc2_body,
      grid=(_CG,),
      in_specs=[
          pl.BlockSpec((_CCH, D), lambda i: (i, 0)),
          pl.BlockSpec((_CCH, D), lambda i: (i, 0)),
          pl.BlockSpec((_CCH, D), lambda i: (i, 0)),
          pl.BlockSpec((_CCH * KN, D), lambda i: (i, 0)),
          pl.BlockSpec((1, 1), lambda i: (0, 0)),
      ],
      out_specs=pl.BlockSpec((1, 1), lambda i: (0, 0)),
      out_shape=jax.ShapeDtypeStruct((1, 1), jnp.float32),
      scratch_shapes=[
          pltpu.VMEM((1, 1), jnp.float32),
      ],
      interpret=interpret,
  )(f_odc, f_cts, pos_c, neg_c, part1)



def kernel(z, idx, neg_idx, centroids, label_bank, head_w, head_b, loss_weight):
  labels, w, pos_c = _sc_meta(
      idx.astype(jnp.int32), centroids, label_bank.astype(jnp.int32),
      loss_weight)
  neg_c = _sc_neg(neg_idx.reshape(-1).astype(jnp.int32), centroids)
  f_odc = z[0::2]
  f_cts = z[1::2]
  hw_bf = head_w.astype(jnp.bfloat16)
  hb2 = head_b.reshape(1, K)
  part1 = _tc1(z, f_odc, labels.reshape(N, 1), w.reshape(N, 1), hw_bf, hb2)
  out = _tc2(f_odc, f_cts, pos_c, neg_c, part1)
  return out[0, 0]

# --- scband reference (transcript-rebuilt; emitter-appended) ---
"""Pipeline reference for scband-contrastive-odc-v18-22351009809253 (READ-ONLY COPY).

The authoritative reference and input builder live on the scoring server;
editing this copy changes nothing except your own understanding.
"""

import jax, jax.numpy as jnp
import numpy as np

N = 512
D = 256
K = 10000
S = 100000
KN = 32
TEMP = 0.2


def setup_inputs(seed: int = 0) -> dict:
    key = jax.random.key(seed)
    ks = jax.random.split(key, 8)
    z = jax.random.normal(ks[0], (2 * N, D), dtype=jnp.float32)
    idx = jax.random.randint(ks[1], (N,), 0, S)
    neg_idx = jax.random.randint(ks[2], (N, KN), 0, K)
    centroids = jax.random.normal(ks[3], (K, D), dtype=jnp.float32) * 0.05
    label_bank = jax.random.randint(ks[4], (S,), 0, K)
    head_w = jax.random.normal(ks[5], (D, K), dtype=jnp.float32) * 0.02
    head_b = jnp.zeros((K,), dtype=jnp.float32)
    loss_weight = jnp.ones((K,), dtype=jnp.float32) / K
    return dict(z=z, idx=idx, neg_idx=neg_idx, centroids=centroids,
                label_bank=label_bank, head_w=head_w, head_b=head_b,
                loss_weight=loss_weight)


def _info_nce(pos, neg, temp):
    logits = jnp.concatenate([pos, neg], axis=1) / temp
    return jnp.mean(jax.nn.logsumexp(logits, axis=1) - logits[:, 0])


def reference(z, idx, neg_idx, centroids, label_bank, head_w, head_b, loss_weight):
    M = z.shape[0]
    n = M // 2
    kn = neg_idx.shape[1]
    # instance branch: normalize, similarity matrix, strip diagonal
    zn = z / (jnp.linalg.norm(z, axis=1, keepdims=True) + 1e-10)
    s = zn @ zn.T  # [M, M]
    r = jnp.arange(M)
    cols = jnp.arange(M - 1)[None, :]
    cols = cols + (cols >= r[:, None])  # skip diagonal
    s_nd = jnp.take_along_axis(s, cols, axis=1)  # [M, M-1]
    pos_col = 2 * (r // 2)  # matches _create_buffer pos_ind
    ins_pos = jnp.take_along_axis(s_nd, pos_col[:, None], axis=1)  # [M, 1]
    ncols = jnp.arange(M - 2)[None, :]
    ncols = ncols + (ncols >= pos_col[:, None])  # skip positive column
    ins_neg = jnp.take_along_axis(s_nd, ncols, axis=1)  # [M, M-2]
    # cluster branch
    cls_labels = jnp.take(label_bank, idx, axis=0)  # [n]
    pos_centroids = jnp.take(centroids, cls_labels, axis=0)  # [n, D]
    neg_c = jnp.take(centroids, neg_idx.reshape(-1), axis=0)  # [n*kn, D]
    f_odc = z[0::2]  # view 1 per pair
    f_cts = z[1::2]  # view 2 per pair
    combine = jnp.concatenate([f_odc, f_cts, pos_centroids, neg_c], axis=0)
    combine = combine / jnp.linalg.norm(combine, axis=1, keepdims=True)
    f_odc_n = combine[:n]
    f_cts_n = combine[n:2 * n]
    pos_c_n = combine[2 * n:3 * n]
    neg_c_n = combine[3 * n:].reshape(n, kn, -1)
    pos_1 = jnp.sum(f_odc_n * pos_c_n, axis=1, keepdims=True)
    pos_2 = jnp.sum(f_cts_n * pos_c_n, axis=1, keepdims=True)
    neg_1 = jnp.sum(f_odc_n[:, None, :] * neg_c_n, axis=2)
    neg_2 = jnp.sum(f_cts_n[:, None, :] * neg_c_n, axis=2)
    # classification head on odc features
    cls_scores = f_odc @ head_w + head_b  # [n, K]
    l_ins = _info_nce(ins_pos, ins_neg, TEMP)
    l_c1 = _info_nce(pos_1, neg_1, TEMP)
    l_c2 = _info_nce(pos_2, neg_2, TEMP)
    logp = jax.nn.log_softmax(cls_scores, axis=1)
    w = jnp.take(loss_weight, cls_labels, axis=0)
    nll = -jnp.take_along_axis(logp, cls_labels[:, None], axis=1)[:, 0]
    l_cls = jnp.sum(w * nll) / jnp.sum(w)
    return l_ins + l_c1 + l_c2 + l_cls

if __name__ == "__main__":
    import jax
    _d = setup_inputs()
    print(jax.jit(kernel)(*tuple(_d.values())))

</pallas_src>

<mosaic_0001>
#map = affine_map<(d0, d1) -> (0)>
#map1 = affine_map<(d0, d1) -> (0, 0)>
module attributes {stable_mosaic.version = 14 : i64} {
  func.func @sc_kernel(%arg0: i32, %arg1: i32, %arg2: memref<512xi32, #tpu.memory_space<hbm>>, %arg3: memref<10000x256xf32, #tpu.memory_space<hbm>>, %arg4: memref<100000xi32, #tpu.memory_space<hbm>>, %arg5: memref<10000xf32, #tpu.memory_space<hbm>>, %arg6: memref<512xi32, #tpu.memory_space<hbm>>, %arg7: memref<512xf32, #tpu.memory_space<hbm>>, %arg8: memref<512x256xf32, #tpu.memory_space<hbm>>, %arg9: memref<16xi32, #tpu.memory_space<vmem>>, %arg10: memref<16xi32, #tpu.memory_space<vmem>>, %arg11: memref<16xf32, #tpu.memory_space<vmem>>, %arg12: memref<16x256xf32, #tpu.memory_space<vmem>>, %arg13: memref<!tpu.dma_semaphore, #tpu.memory_space<semaphore_mem>>) attributes {dimension_semantics = [#tpu.dimension_semantics<core_parallel>, #tpu.dimension_semantics<subcore_parallel>], iteration_bounds = array<i64: 2, 16>, scalar_prefetch = 0 : i64, scratch_operands = 5 : i64, tpu.core_type = #tpu.core_type<sc_vector_subcore>, window_params = [{transform_indices = #map}, {transform_indices = #map1}, {transform_indices = #map}, {transform_indices = #map}, {transform_indices = #map}, {transform_indices = #map}, {transform_indices = #map1}]} {
    %mul3A = arith.constant 2 : i32
    %mul3A_0 = arith.muli %arg1, %mul3A : i32
    %add3A = arith.addi %mul3A_0, %arg0 : i32
    %mul3A_1 = arith.constant 16 : i32
    %mul3A_2 = arith.muli %add3A, %mul3A_1 : i32
    "tpu.region"() ({
      %run_scoped3A = tpu.sem_alloc : memref<!tpu.dma_semaphore, #tpu.memory_space<semaphore_mem>>
      %dma_start3A_15 = tpu.memref_slice %arg2[%mul3A_2] : memref<512xi32, #tpu.memory_space<hbm>> -> memref<16xi32, #tpu.memory_space<hbm>>
      %dma_start3A_16 = tpu.memref_slice %arg2[%mul3A_2] : memref<512xi32, #tpu.memory_space<hbm>> -> memref<16xi32, #tpu.memory_space<hbm>>
      tpu.enqueue_dma source(%dma_start3A_16 : memref<16xi32, #tpu.memory_space<hbm>>) target(%arg9 : memref<16xi32, #tpu.memory_space<vmem>>) target_semaphore(%run_scoped3A : memref<!tpu.dma_semaphore, #tpu.memory_space<semaphore_mem>>)
      %dma_wait3A_17 = tpu.memref_slice %arg2[%mul3A_2] : memref<512xi32, #tpu.memory_space<hbm>> -> memref<16xi32, #tpu.memory_space<hbm>>
      %dma_wait3A_18 = tpu.memref_slice %arg2[%mul3A_2] : memref<512xi32, #tpu.memory_space<hbm>> -> memref<16xi32, #tpu.memory_space<hbm>>
      tpu.wait_dma2 semaphore(%run_scoped3A : memref<!tpu.dma_semaphore, #tpu.memory_space<semaphore_mem>>) src(%dma_wait3A_18 : memref<16xi32, #tpu.memory_space<hbm>>) dst(%arg9 : memref<16xi32, #tpu.memory_space<vmem>>)
      tpu.yield
    }) : () -> ()
    %dma_start3A = arith.constant 0 : i32
    %dma_start3A_3 = tpu.memref_slice %arg4[%dma_start3A] : memref<100000xi32, #tpu.memory_space<hbm>> -> memref<100000xi32, #tpu.memory_space<hbm>>
    tpu.enqueue_indirect_dma source(%dma_start3A_3 : memref<100000xi32, #tpu.memory_space<hbm>>) target(%arg10 : memref<16xi32, #tpu.memory_space<vmem>>) offsets(%arg9 : memref<16xi32, #tpu.memory_space<vmem>>) semaphore(%arg13 : memref<!tpu.dma_semaphore, #tpu.memory_space<semaphore_mem>>)
    %dma_wait3A = arith.constant 0 : i32
    %dma_wait3A_4 = tpu.memref_slice %arg4[%dma_wait3A] : memref<100000xi32, #tpu.memory_space<hbm>> -> memref<100000xi32, #tpu.memory_space<hbm>>
    tpu.wait_indirect_dma semaphore(%arg13 : memref<!tpu.dma_semaphore, #tpu.memory_space<semaphore_mem>>) src(%dma_wait3A_4 : memref<100000xi32, #tpu.memory_space<hbm>>) dst(%arg10 : memref<16xi32, #tpu.memory_space<vmem>>)
    "tpu.region"() ({
      %run_scoped3A = tpu.sem_alloc : memref<!tpu.dma_semaphore, #tpu.memory_space<semaphore_mem>>
      %dma_start3A_15 = tpu.memref_slice %arg6[%mul3A_2] : memref<512xi32, #tpu.memory_space<hbm>> -> memref<16xi32, #tpu.memory_space<hbm>>
      %dma_start3A_16 = tpu.memref_slice %arg6[%mul3A_2] : memref<512xi32, #tpu.memory_space<hbm>> -> memref<16xi32, #tpu.memory_space<hbm>>
      tpu.enqueue_dma source(%arg10 : memref<16xi32, #tpu.memory_space<vmem>>) target(%dma_start3A_16 : memref<16xi32, #tpu.memory_space<hbm>>) target_semaphore(%run_scoped3A : memref<!tpu.dma_semaphore, #tpu.memory_space<semaphore_mem>>)
      %dma_wait3A_17 = tpu.memref_slice %arg6[%mul3A_2] : memref<512xi32, #tpu.memory_space<hbm>> -> memref<16xi32, #tpu.memory_space<hbm>>
      %dma_wait3A_18 = tpu.memref_slice %arg6[%mul3A_2] : memref<512xi32, #tpu.memory_space<hbm>> -> memref<16xi32, #tpu.memory_space<hbm>>
      tpu.wait_dma2 semaphore(%run_scoped3A : memref<!tpu.dma_semaphore, #tpu.memory_space<semaphore_mem>>) src(%arg10 : memref<16xi32, #tpu.memory_space<vmem>>) dst(%dma_wait3A_18 : memref<16xi32, #tpu.memory_space<hbm>>)
      tpu.yield
    }) : () -> ()
    %dma_start3A_5 = arith.constant 0 : i32
    %dma_start3A_6 = tpu.memref_slice %arg5[%dma_start3A_5] : memref<10000xf32, #tpu.memory_space<hbm>> -> memref<10000xf32, #tpu.memory_space<hbm>>
    tpu.enqueue_indirect_dma source(%dma_start3A_6 : memref<10000xf32, #tpu.memory_space<hbm>>) target(%arg11 : memref<16xf32, #tpu.memory_space<vmem>>) offsets(%arg10 : memref<16xi32, #tpu.memory_space<vmem>>) semaphore(%arg13 : memref<!tpu.dma_semaphore, #tpu.memory_space<semaphore_mem>>)
    %dma_wait3A_7 = arith.constant 0 : i32
    %dma_wait3A_8 = tpu.memref_slice %arg5[%dma_wait3A_7] : memref<10000xf32, #tpu.memory_space<hbm>> -> memref<10000xf32, #tpu.memory_space<hbm>>
    tpu.wait_indirect_dma semaphore(%arg13 : memref<!tpu.dma_semaphore, #tpu.memory_space<semaphore_mem>>) src(%dma_wait3A_8 : memref<10000xf32, #tpu.memory_space<hbm>>) dst(%arg11 : memref<16xf32, #tpu.memory_space<vmem>>)
    "tpu.region"() ({
      %run_scoped3A = tpu.sem_alloc : memref<!tpu.dma_semaphore, #tpu.memory_space<semaphore_mem>>
      %dma_start3A_15 = tpu.memref_slice %arg7[%mul3A_2] : memref<512xf32, #tpu.memory_space<hbm>> -> memref<16xf32, #tpu.memory_space<hbm>>
      %dma_start3A_16 = tpu.memref_slice %arg7[%mul3A_2] : memref<512xf32, #tpu.memory_space<hbm>> -> memref<16xf32, #tpu.memory_space<hbm>>
      tpu.enqueue_dma source(%arg11 : memref<16xf32, #tpu.memory_space<vmem>>) target(%dma_start3A_16 : memref<16xf32, #tpu.memory_space<hbm>>) target_semaphore(%run_scoped3A : memref<!tpu.dma_semaphore, #tpu.memory_space<semaphore_mem>>)
      %dma_wait3A_17 = tpu.memref_slice %arg7[%mul3A_2] : memref<512xf32, #tpu.memory_space<hbm>> -> memref<16xf32, #tpu.memory_space<hbm>>
      %dma_wait3A_18 = tpu.memref_slice %arg7[%mul3A_2] : memref<512xf32, #tpu.memory_space<hbm>> -> memref<16xf32, #tpu.memory_space<hbm>>
      tpu.wait_dma2 semaphore(%run_scoped3A : memref<!tpu.dma_semaphore, #tpu.memory_space<semaphore_mem>>) src(%arg11 : memref<16xf32, #tpu.memory_space<vmem>>) dst(%dma_wait3A_18 : memref<16xf32, #tpu.memory_space<hbm>>)
      tpu.yield
    }) : () -> ()
    %dma_start3A_9 = arith.constant 0 : i32
    %dma_start3A_10 = arith.constant 0 : i32
    %dma_start3A_11 = tpu.memref_slice %arg3[%dma_start3A_9, %dma_start3A_10] : memref<10000x256xf32, #tpu.memory_space<hbm>> -> memref<10000x256xf32, #tpu.memory_space<hbm>>
    tpu.enqueue_indirect_dma source(%dma_start3A_11 : memref<10000x256xf32, #tpu.memory_space<hbm>>) target(%arg12 : memref<16x256xf32, #tpu.memory_space<vmem>>) offsets(%arg10 : memref<16xi32, #tpu.memory_space<vmem>>) semaphore(%arg13 : memref<!tpu.dma_semaphore, #tpu.memory_space<semaphore_mem>>)
    %dma_wait3A_12 = arith.constant 0 : i32
    %dma_wait3A_13 = arith.constant 0 : i32
    %dma_wait3A_14 = tpu.memref_slice %arg3[%dma_wait3A_12, %dma_wait3A_13] : memref<10000x256xf32, #tpu.memory_space<hbm>> -> memref<10000x256xf32, #tpu.memory_space<hbm>>
    tpu.wait_indirect_dma semaphore(%arg13 : memref<!tpu.dma_semaphore, #tpu.memory_space<semaphore_mem>>) src(%dma_wait3A_14 : memref<10000x256xf32, #tpu.memory_space<hbm>>) dst(%arg12 : memref<16x256xf32, #tpu.memory_space<vmem>>)
    "tpu.region"() ({
      %run_scoped3A = tpu.sem_alloc : memref<!tpu.dma_semaphore, #tpu.memory_space<semaphore_mem>>
      %dma_start3A_15 = arith.constant 0 : i32
      %dma_start3A_16 = tpu.memref_slice %arg8[%mul3A_2, %dma_start3A_15] : memref<512x256xf32, #tpu.memory_space<hbm>> -> memref<16x256xf32, #tpu.memory_space<hbm>>
      %dma_start3A_17 = arith.constant 0 : i32
      %dma_start3A_18 = tpu.memref_slice %arg8[%mul3A_2, %dma_start3A_17] : memref<512x256xf32, #tpu.memory_space<hbm>> -> memref<16x256xf32, #tpu.memory_space<hbm>>
      tpu.enqueue_dma source(%arg12 : memref<16x256xf32, #tpu.memory_space<vmem>>) target(%dma_start3A_18 : memref<16x256xf32, #tpu.memory_space<hbm>>) target_semaphore(%run_scoped3A : memref<!tpu.dma_semaphore, #tpu.memory_space<semaphore_mem>>)
      %dma_wait3A_19 = arith.constant 0 : i32
      %dma_wait3A_20 = tpu.memref_slice %arg8[%mul3A_2, %dma_wait3A_19] : memref<512x256xf32, #tpu.memory_space<hbm>> -> memref<16x256xf32, #tpu.memory_space<hbm>>
      %dma_wait3A_21 = arith.constant 0 : i32
      %dma_wait3A_22 = tpu.memref_slice %arg8[%mul3A_2, %dma_wait3A_21] : memref<512x256xf32, #tpu.memory_space<hbm>> -> memref<16x256xf32, #tpu.memory_space<hbm>>
      tpu.wait_dma2 semaphore(%run_scoped3A : memref<!tpu.dma_semaphore, #tpu.memory_space<semaphore_mem>>) src(%arg12 : memref<16x256xf32, #tpu.memory_space<vmem>>) dst(%dma_wait3A_22 : memref<16x256xf32, #tpu.memory_space<hbm>>)
      tpu.yield
    }) : () -> ()
    return
  }
}

#map = affine_map<(d0, d1) -> (0)>
#map1 = affine_map<(d0, d1) -> (0, 0)>
module attributes {stable_mosaic.version = 14 : i64} {
  func.func @sc_kernel(%arg0: i32, %arg1: i32, %arg2: memref<16384xi32, #tpu.memory_space<hbm>>, %arg3: memref<10000x256xf32, #tpu.memory_space<hbm>>, %arg4: memref<16384x256xf32, #tpu.memory_space<hbm>>, %arg5: memref<512xi32, #tpu.memory_space<vmem>>, %arg6: memref<128x256xf32, #tpu.memory_space<vmem>>, %arg7: memref<128x256xf32, #tpu.memory_space<vmem>>, %arg8: memref<!tpu.dma_semaphore, #tpu.memory_space<semaphore_mem>>, %arg9: memref<!tpu.dma_semaphore, #tpu.memory_space<semaphore_mem>>) attributes {dimension_semantics = [#tpu.dimension_semantics<core_parallel>, #tpu.dimension_semantics<subcore_parallel>], iteration_bounds = array<i64: 2, 16>, scalar_prefetch = 0 : i64, scratch_operands = 5 : i64, tpu.core_type = #tpu.core_type<sc_vector_subcore>, window_params = [{transform_indices = #map}, {transform_indices = #map1}, {transform_indices = #map1}]} {
    %mul3A = arith.constant 2 : i32
    %mul3A_0 = arith.muli %arg1, %mul3A : i32
    %add3A = arith.addi %mul3A_0, %arg0 : i32
    %mul3A_1 = arith.constant 512 : i32
    %mul3A_2 = arith.muli %add3A, %mul3A_1 : i32
    "tpu.region"() ({
      %run_scoped3A = tpu.sem_alloc : memref<!tpu.dma_semaphore, #tpu.memory_space<semaphore_mem>>
      %dma_start3A_49 = tpu.memref_slice %arg2[%mul3A_2] : memref<16384xi32, #tpu.memory_space<hbm>> -> memref<512xi32, #tpu.memory_space<hbm>>
      %dma_start3A_50 = tpu.memref_slice %arg2[%mul3A_2] : memref<16384xi32, #tpu.memory_space<hbm>> -> memref<512xi32, #tpu.memory_space<hbm>>
      tpu.enqueue_dma source(%dma_start3A_50 : memref<512xi32, #tpu.memory_space<hbm>>) target(%arg5 : memref<512xi32, #tpu.memory_space<vmem>>) target_semaphore(%run_scoped3A : memref<!tpu.dma_semaphore, #tpu.memory_space<semaphore_mem>>)
      %dma_wait3A_51 = tpu.memref_slice %arg2[%mul3A_2] : memref<16384xi32, #tpu.memory_space<hbm>> -> memref<512xi32, #tpu.memory_space<hbm>>
      %dma_wait3A_52 = tpu.memref_slice %arg2[%mul3A_2] : memref<16384xi32, #tpu.memory_space<hbm>> -> memref<512xi32, #tpu.memory_space<hbm>>
      tpu.wait_dma2 semaphore(%run_scoped3A : memref<!tpu.dma_semaphore, #tpu.memory_space<semaphore_mem>>) src(%dma_wait3A_52 : memref<512xi32, #tpu.memory_space<hbm>>) dst(%arg5 : memref<512xi32, #tpu.memory_space<vmem>>)
      tpu.yield
    }) : () -> ()
    %dma_start3A = arith.constant 0 : i32
    %dma_start3A_3 = tpu.memref_slice %arg5[%dma_start3A] : memref<512xi32, #tpu.memory_space<vmem>> -> memref<128xi32, #tpu.memory_space<vmem>>
    %dma_start3A_4 = arith.constant 0 : i32
    %dma_start3A_5 = arith.constant 0 : i32
    %dma_start3A_6 = tpu.memref_slice %arg3[%dma_start3A_4, %dma_start3A_5] : memref<10000x256xf32, #tpu.memory_space<hbm>> -> memref<10000x256xf32, #tpu.memory_space<hbm>>
    tpu.enqueue_indirect_dma source(%dma_start3A_6 : memref<10000x256xf32, #tpu.memory_space<hbm>>) target(%arg6 : memref<128x256xf32, #tpu.memory_space<vmem>>) offsets(%dma_start3A_3 : memref<128xi32, #tpu.memory_space<vmem>>) semaphore(%arg8 : memref<!tpu.dma_semaphore, #tpu.memory_space<semaphore_mem>>)
    %dma_start3A_7 = arith.constant 128 : i32
    %dma_start3A_8 = tpu.memref_slice %arg5[%dma_start3A_7] : memref<512xi32, #tpu.memory_space<vmem>> -> memref<128xi32, #tpu.memory_space<vmem>>
    %dma_start3A_9 = arith.constant 0 : i32
    %dma_start3A_10 = arith.constant 0 : i32
    %dma_start3A_11 = tpu.memref_slice %arg3[%dma_start3A_9, %dma_start3A_10] : memref<10000x256xf32, #tpu.memory_space<hbm>> -> memref<10000x256xf32, #tpu.memory_space<hbm>>
    tpu.enqueue_indirect_dma source(%dma_start3A_11 : memref<10000x256xf32, #tpu.memory_space<hbm>>) target(%arg7 : memref<128x256xf32, #tpu.memory_space<vmem>>) offsets(%dma_start3A_8 : memref<128xi32, #tpu.memory_space<vmem>>) semaphore(%arg9 : memref<!tpu.dma_semaphore, #tpu.memory_space<semaphore_mem>>)
    %dma_wait3A = arith.constant 0 : i32
    %dma_wait3A_12 = tpu.memref_slice %arg5[%dma_wait3A] : memref<512xi32, #tpu.memory_space<vmem>> -> memref<128xi32, #tpu.memory_space<vmem>>
    %dma_wait3A_13 = arith.constant 0 : i32
    %dma_wait3A_14 = arith.constant 0 : i32
    %dma_wait3A_15 = tpu.memref_slice %arg3[%dma_wait3A_13, %dma_wait3A_14] : memref<10000x256xf32, #tpu.memory_space<hbm>> -> memref<10000x256xf32, #tpu.memory_space<hbm>>
    tpu.wait_indirect_dma semaphore(%arg8 : memref<!tpu.dma_semaphore, #tpu.memory_space<semaphore_mem>>) src(%dma_wait3A_15 : memref<10000x256xf32, #tpu.memory_space<hbm>>) dst(%arg6 : memref<128x256xf32, #tpu.memory_space<vmem>>)
    %add3A_16 = arith.constant 0 : i32
    %add3A_17 = arith.addi %mul3A_2, %add3A_16 : i32
    "tpu.region"() ({
      %run_scoped3A = tpu.sem_alloc : memref<!tpu.dma_semaphore, #tpu.memory_space<semaphore_mem>>
      %dma_start3A_49 = arith.constant 0 : i32
      %dma_start3A_50 = tpu.memref_slice %arg4[%add3A_17, %dma_start3A_49] : memref<16384x256xf32, #tpu.memory_space<hbm>> -> memref<128x256xf32, #tpu.memory_space<hbm>>
      %dma_start3A_51 = arith.constant 0 : i32
      %dma_start3A_52 = tpu.memref_slice %arg4[%add3A_17, %dma_start3A_51] : memref<16384x256xf32, #tpu.memory_space<hbm>> -> memref<128x256xf32, #tpu.memory_space<hbm>>
      tpu.enqueue_dma source(%arg6 : memref<128x256xf32, #tpu.memory_space<vmem>>) target(%dma_start3A_52 : memref<128x256xf32, #tpu.memory_space<hbm>>) target_semaphore(%run_scoped3A : memref<!tpu.dma_semaphore, #tpu.memory_space<semaphore_mem>>)
      %dma_wait3A_53 = arith.constant 0 : i32
      %dma_wait3A_54 = tpu.memref_slice %arg4[%add3A_17, %dma_wait3A_53] : memref<16384x256xf32, #tpu.memory_space<hbm>> -> memref<128x256xf32, #tpu.memory_space<hbm>>
      %dma_wait3A_55 = arith.constant 0 : i32
      %dma_wait3A_56 = tpu.memref_slice %arg4[%add3A_17, %dma_wait3A_55] : memref<16384x256xf32, #tpu.memory_space<hbm>> -> memref<128x256xf32, #tpu.memory_space<hbm>>
      tpu.wait_dma2 semaphore(%run_scoped3A : memref<!tpu.dma_semaphore, #tpu.memory_space<semaphore_mem>>) src(%arg6 : memref<128x256xf32, #tpu.memory_space<vmem>>) dst(%dma_wait3A_56 : memref<128x256xf32, #tpu.memory_space<hbm>>)
      tpu.yield
    }) : () -> ()
    %dma_start3A_18 = arith.constant 256 : i32
    %dma_start3A_19 = tpu.memref_slice %arg5[%dma_start3A_18] : memref<512xi32, #tpu.memory_space<vmem>> -> memref<128xi32, #tpu.memory_space<vmem>>
    %dma_start3A_20 = arith.constant 0 : i32
    %dma_start3A_21 = arith.constant 0 : i32
    %dma_start3A_22 = tpu.memref_slice %arg3[%dma_start3A_20, %dma_start3A_21] : memref<10000x256xf32, #tpu.memory_space<hbm>> -> memref<10000x256xf32, #tpu.memory_space<hbm>>
    tpu.enqueue_indirect_dma source(%dma_start3A_22 : memref<10000x256xf32, #tpu.memory_space<hbm>>) target(%arg6 : memref<128x256xf32, #tpu.memory_space<vmem>>) offsets(%dma_start3A_19 : memref<128xi32, #tpu.memory_space<vmem>>) semaphore(%arg8 : memref<!tpu.dma_semaphore, #tpu.memory_space<semaphore_mem>>)
    %dma_wait3A_23 = arith.constant 128 : i32
    %dma_wait3A_24 = tpu.memref_slice %arg5[%dma_wait3A_23] : memref<512xi32, #tpu.memory_space<vmem>> -> memref<128xi32, #tpu.memory_space<vmem>>
    %dma_wait3A_25 = arith.constant 0 : i32
    %dma_wait3A_26 = arith.constant 0 : i32
    %dma_wait3A_27 = tpu.memref_slice %arg3[%dma_wait3A_25, %dma_wait3A_26] : memref<10000x256xf32, #tpu.memory_space<hbm>> -> memref<10000x256xf32, #tpu.memory_space<hbm>>
    tpu.wait_indirect_dma semaphore(%arg9 : memref<!tpu.dma_semaphore, #tpu.memory_space<semaphore_mem>>) src(%dma_wait3A_27 : memref<10000x256xf32, #tpu.memory_space<hbm>>) dst(%arg7 : memref<128x256xf32, #tpu.memory_space<vmem>>)
    %add3A_28 = arith.constant 128 : i32
    %add3A_29 = arith.addi %mul3A_2, %add3A_28 : i32
    "tpu.region"() ({
      %run_scoped3A = tpu.sem_alloc : memref<!tpu.dma_semaphore, #tpu.memory_space<semaphore_mem>>
      %dma_start3A_49 = arith.constant 0 : i32
      %dma_start3A_50 = tpu.memref_slice %arg4[%add3A_29, %dma_start3A_49] : memref<16384x256xf32, #tpu.memory_space<hbm>> -> memref<128x256xf32, #tpu.memory_space<hbm>>
      %dma_start3A_51 = arith.constant 0 : i32
      %dma_start3A_52 = tpu.memref_slice %arg4[%add3A_29, %dma_start3A_51] : memref<16384x256xf32, #tpu.memory_space<hbm>> -> memref<128x256xf32, #tpu.memory_space<hbm>>
      tpu.enqueue_dma source(%arg7 : memref<128x256xf32, #tpu.memory_space<vmem>>) target(%dma_start3A_52 : memref<128x256xf32, #tpu.memory_space<hbm>>) target_semaphore(%run_scoped3A : memref<!tpu.dma_semaphore, #tpu.memory_space<semaphore_mem>>)
      %dma_wait3A_53 = arith.constant 0 : i32
      %dma_wait3A_54 = tpu.memref_slice %arg4[%add3A_29, %dma_wait3A_53] : memref<16384x256xf32, #tpu.memory_space<hbm>> -> memref<128x256xf32, #tpu.memory_space<hbm>>
      %dma_wait3A_55 = arith.constant 0 : i32
      %dma_wait3A_56 = tpu.memref_slice %arg4[%add3A_29, %dma_wait3A_55] : memref<16384x256xf32, #tpu.memory_space<hbm>> -> memref<128x256xf32, #tpu.memory_space<hbm>>
      tpu.wait_dma2 semaphore(%run_scoped3A : memref<!tpu.dma_semaphore, #tpu.memory_space<semaphore_mem>>) src(%arg7 : memref<128x256xf32, #tpu.memory_space<vmem>>) dst(%dma_wait3A_56 : memref<128x256xf32, #tpu.memory_space<hbm>>)
      tpu.yield
    }) : () -> ()
    %dma_start3A_30 = arith.constant 384 : i32
    %dma_start3A_31 = tpu.memref_slice %arg5[%dma_start3A_30] : memref<512xi32, #tpu.memory_space<vmem>> -> memref<128xi32, #tpu.memory_space<vmem>>
    %dma_start3A_32 = arith.constant 0 : i32
    %dma_start3A_33 = arith.constant 0 : i32
    %dma_start3A_34 = tpu.memref_slice %arg3[%dma_start3A_32, %dma_start3A_33] : memref<10000x256xf32, #tpu.memory_space<hbm>> -> memref<10000x256xf32, #tpu.memory_space<hbm>>
    tpu.enqueue_indirect_dma source(%dma_start3A_34 : memref<10000x256xf32, #tpu.memory_space<hbm>>) target(%arg7 : memref<128x256xf32, #tpu.memory_space<vmem>>) offsets(%dma_start3A_31 : memref<128xi32, #tpu.memory_space<vmem>>) semaphore(%arg9 : memref<!tpu.dma_semaphore, #tpu.memory_space<semaphore_mem>>)
    %dma_wait3A_35 = arith.constant 256 : i32
    %dma_wait3A_36 = tpu.memref_slice %arg5[%dma_wait3A_35] : memref<512xi32, #tpu.memory_space<vmem>> -> memref<128xi32, #tpu.memory_space<vmem>>
    %dma_wait3A_37 = arith.constant 0 : i32
    %dma_wait3A_38 = arith.constant 0 : i32
    %dma_wait3A_39 = tpu.memref_slice %arg3[%dma_wait3A_37, %dma_wait3A_38] : memref<10000x256xf32, #tpu.memory_space<hbm>> -> memref<10000x256xf32, #tpu.memory_space<hbm>>
    tpu.wait_indirect_dma semaphore(%arg8 : memref<!tpu.dma_semaphore, #tpu.memory_space<semaphore_mem>>) src(%dma_wait3A_39 : memref<10000x256xf32, #tpu.memory_space<hbm>>) dst(%arg6 : memref<128x256xf32, #tpu.memory_space<vmem>>)
    %add3A_40 = arith.constant 256 : i32
    %add3A_41 = arith.addi %mul3A_2, %add3A_40 : i32
    "tpu.region"() ({
      %run_scoped3A = tpu.sem_alloc : memref<!tpu.dma_semaphore, #tpu.memory_space<semaphore_mem>>
      %dma_start3A_49 = arith.constant 0 : i32
      %dma_start3A_50 = tpu.memref_slice %arg4[%add3A_41, %dma_start3A_49] : memref<16384x256xf32, #tpu.memory_space<hbm>> -> memref<128x256xf32, #tpu.memory_space<hbm>>
      %dma_start3A_51 = arith.constant 0 : i32
      %dma_start3A_52 = tpu.memref_slice %arg4[%add3A_41, %dma_start3A_51] : memref<16384x256xf32, #tpu.memory_space<hbm>> -> memref<128x256xf32, #tpu.memory_space<hbm>>
      tpu.enqueue_dma source(%arg6 : memref<128x256xf32, #tpu.memory_space<vmem>>) target(%dma_start3A_52 : memref<128x256xf32, #tpu.memory_space<hbm>>) target_semaphore(%run_scoped3A : memref<!tpu.dma_semaphore, #tpu.memory_space<semaphore_mem>>)
      %dma_wait3A_53 = arith.constant 0 : i32
      %dma_wait3A_54 = tpu.memref_slice %arg4[%add3A_41, %dma_wait3A_53] : memref<16384x256xf32, #tpu.memory_space<hbm>> -> memref<128x256xf32, #tpu.memory_space<hbm>>
      %dma_wait3A_55 = arith.constant 0 : i32
      %dma_wait3A_56 = tpu.memref_slice %arg4[%add3A_41, %dma_wait3A_55] : memref<16384x256xf32, #tpu.memory_space<hbm>> -> memref<128x256xf32, #tpu.memory_space<hbm>>
      tpu.wait_dma2 semaphore(%run_scoped3A : memref<!tpu.dma_semaphore, #tpu.memory_space<semaphore_mem>>) src(%arg6 : memref<128x256xf32, #tpu.memory_space<vmem>>) dst(%dma_wait3A_56 : memref<128x256xf32, #tpu.memory_space<hbm>>)
      tpu.yield
    }) : () -> ()
    %dma_wait3A_42 = arith.constant 384 : i32
    %dma_wait3A_43 = tpu.memref_slice %arg5[%dma_wait3A_42] : memref<512xi32, #tpu.memory_space<vmem>> -> memref<128xi32, #tpu.memory_space<vmem>>
    %dma_wait3A_44 = arith.constant 0 : i32
    %dma_wait3A_45 = arith.constant 0 : i32
    %dma_wait3A_46 = tpu.memref_slice %arg3[%dma_wait3A_44, %dma_wait3A_45] : memref<10000x256xf32, #tpu.memory_space<hbm>> -> memref<10000x256xf32, #tpu.memory_space<hbm>>
    tpu.wait_indirect_dma semaphore(%arg9 : memref<!tpu.dma_semaphore, #tpu.memory_space<semaphore_mem>>) src(%dma_wait3A_46 : memref<10000x256xf32, #tpu.memory_space<hbm>>) dst(%arg7 : memref<128x256xf32, #tpu.memory_space<vmem>>)
    %add3A_47 = arith.constant 384 : i32
    %add3A_48 = arith.addi %mul3A_2, %add3A_47 : i32
    "tpu.region"() ({
      %run_scoped3A = tpu.sem_alloc : memref<!tpu.dma_semaphore, #tpu.memory_space<semaphore_mem>>
      %dma_start3A_49 = arith.constant 0 : i32
      %dma_start3A_50 = tpu.memref_slice %arg4[%add3A_48, %dma_start3A_49] : memref<16384x256xf32, #tpu.memory_space<hbm>> -> memref<128x256xf32, #tpu.memory_space<hbm>>
      %dma_start3A_51 = arith.constant 0 : i32
      %dma_start3A_52 = tpu.memref_slice %arg4[%add3A_48, %dma_start3A_51] : memref<16384x256xf32, #tpu.memory_space<hbm>> -> memref<128x256xf32, #tpu.memory_space<hbm>>
      tpu.enqueue_dma source(%arg7 : memref<128x256xf32, #tpu.memory_space<vmem>>) target(%dma_start3A_52 : memref<128x256xf32, #tpu.memory_space<hbm>>) target_semaphore(%run_scoped3A : memref<!tpu.dma_semaphore, #tpu.memory_space<semaphore_mem>>)
      %dma_wait3A_53 = arith.constant 0 : i32
      %dma_wait3A_54 = tpu.memref_slice %arg4[%add3A_48, %dma_wait3A_53] : memref<16384x256xf32, #tpu.memory_space<hbm>> -> memref<128x256xf32, #tpu.memory_space<hbm>>
      %dma_wait3A_55 = arith.constant 0 : i32
      %dma_wait3A_56 = tpu.memref_slice %arg4[%add3A_48, %dma_wait3A_55] : memref<16384x256xf32, #tpu.memory_space<hbm>> -> memref<128x256xf32, #tpu.memory_space<hbm>>
      tpu.wait_dma2 semaphore(%run_scoped3A : memref<!tpu.dma_semaphore, #tpu.memory_space<semaphore_mem>>) src(%arg7 : memref<128x256xf32, #tpu.memory_space<vmem>>) dst(%dma_wait3A_56 : memref<128x256xf32, #tpu.memory_space<hbm>>)
      tpu.yield
    }) : () -> ()
    return
  }
}

module attributes {stable_mosaic.version = 14 : i64} {
  func.func @_tc2_body(%arg0: i32, %arg1: memref<128x256xf32, #tpu.memory_space<vmem>>, %arg2: memref<128x256xf32, #tpu.memory_space<vmem>>, %arg3: memref<128x256xf32, #tpu.memory_space<vmem>>, %arg4: memref<4096x256xf32, #tpu.memory_space<vmem>>, %arg5: memref<1x1xf32, #tpu.memory_space<vmem>>, %arg6: memref<1x1xf32, #tpu.memory_space<vmem>>, %arg7: memref<1x1xf32, #tpu.memory_space<vmem>>) attributes {dimension_semantics = [#tpu.dimension_semantics<arbitrary>], iteration_bounds = array<i64: 4>, scalar_prefetch = 0 : i64, scratch_operands = 1 : i64, tpu.core_type = #tpu.core_type<tc>, window_params = [{transform_indices = @transform_0, window_bounds = array<i64: 128, 256>}, {transform_indices = @transform_1, window_bounds = array<i64: 128, 256>}, {transform_indices = @transform_2, window_bounds = array<i64: 128, 256>}, {transform_indices = @transform_3, window_bounds = array<i64: 4096, 256>}, {pipeline_mode = #tpu.pipeline_mode<synchronous>, transform_indices = @transform_4, window_bounds = array<i64: 1, 1>}, {pipeline_mode = #tpu.pipeline_mode<synchronous>, transform_indices = @transform_5, window_bounds = array<i64: 1, 1>}]} {
    %eq3A = arith.constant 0 : i32
    %eq3A_0 = arith.cmpi eq, %arg0, %eq3A : i32
    %convert_element_type3A = arith.extui %eq3A_0 : i1 to i32
    %cond3A = arith.constant 0 : i32
    %cond3A_1 = arith.cmpi ne, %convert_element_type3A, %cond3A : i32
    scf.if %cond3A_1 {
      %broadcast_in_dim3A_104 = arith.constant 0.000000e+00 : f32
      %broadcast_in_dim3A_105 = vector.broadcast %broadcast_in_dim3A_104 : f32 to vector<1x1xf32>
      %swap3A_106 = arith.constant 0 : index
      %swap3A_107 = arith.constant 0 : index
      %swap3A_108 = vector.load %arg7[%swap3A_106, %swap3A_107] : memref<1x1xf32, #tpu.memory_space<vmem>>, vector<1x1xf32>
      tpu.vector_store %arg7[%swap3A_106, %swap3A_107], %broadcast_in_dim3A_105 {strides = array<i32>} : memref<1x1xf32, #tpu.memory_space<vmem>>, vector<1x1xf32>,
    } else {
    }
    %get3A = arith.constant 0 : index
    %get3A_2 = arith.constant 0 : index
    %get3A_3 = vector.load %arg1[%get3A, %get3A_2] : memref<128x256xf32, #tpu.memory_space<vmem>>, vector<128x256xf32>
    %get3A_4 = arith.constant 0 : index
    %get3A_5 = arith.constant 0 : index
    %get3A_6 = vector.load %arg2[%get3A_4, %get3A_5] : memref<128x256xf32, #tpu.memory_space<vmem>>, vector<128x256xf32>
    %get3A_7 = arith.constant 0 : index
    %get3A_8 = arith.constant 0 : index
    %get3A_9 = vector.load %arg3[%get3A_7, %get3A_8] : memref<128x256xf32, #tpu.memory_space<vmem>>, vector<128x256xf32>
    %mul3A = arith.mulf %get3A_3, %get3A_3 : vector<128x256xf32>
    %reduce_sum3A = arith.constant dense<0.000000e+00> : vector<128xf32>
    %reduce_sum3A_10 = vector.multi_reduction <add>, %mul3A, %reduce_sum3A [1] : vector<128x256xf32> to vector<128xf32>
    %broadcast_in_dim3A = vector.shape_cast %reduce_sum3A_10 : vector<128xf32> to vector<128x1xf32>
    %sqrt3A = math.sqrt %broadcast_in_dim3A : vector<128x1xf32>
    %div3A = vector.broadcast %sqrt3A : vector<128x1xf32> to vector<128x256xf32>
    %div3A_11 = arith.divf %get3A_3, %div3A : vector<128x256xf32>
    %mul3A_12 = arith.mulf %get3A_6, %get3A_6 : vector<128x256xf32>
    %reduce_sum3A_13 = arith.constant dense<0.000000e+00> : vector<128xf32>
    %reduce_sum3A_14 = vector.multi_reduction <add>, %mul3A_12, %reduce_sum3A_13 [1] : vector<128x256xf32> to vector<128xf32>
    %broadcast_in_dim3A_15 = vector.shape_cast %reduce_sum3A_14 : vector<128xf32> to vector<128x1xf32>
    %sqrt3A_16 = math.sqrt %broadcast_in_dim3A_15 : vector<128x1xf32>
    %div3A_17 = vector.broadcast %sqrt3A_16 : vector<128x1xf32> to vector<128x256xf32>
    %div3A_18 = arith.divf %get3A_6, %div3A_17 : vector<128x256xf32>
    %mul3A_19 = arith.mulf %get3A_9, %get3A_9 : vector<128x256xf32>
    %reduce_sum3A_20 = arith.constant dense<0.000000e+00> : vector<128xf32>
    %reduce_sum3A_21 = vector.multi_reduction <add>, %mul3A_19, %reduce_sum3A_20 [1] : vector<128x256xf32> to vector<128xf32>
    %broadcast_in_dim3A_22 = vector.shape_cast %reduce_sum3A_21 : vector<128xf32> to vector<128x1xf32>
    %sqrt3A_23 = math.sqrt %broadcast_in_dim3A_22 : vector<128x1xf32>
    %div3A_24 = vector.broadcast %sqrt3A_23 : vector<128x1xf32> to vector<128x256xf32>
    %div3A_25 = arith.divf %get3A_9, %div3A_24 : vector<128x256xf32>
    %mul3A_26 = arith.mulf %div3A_11, %div3A_25 : vector<128x256xf32>
    %reduce_sum3A_27 = arith.constant dense<0.000000e+00> : vector<128xf32>
    %reduce_sum3A_28 = vector.multi_reduction <add>, %mul3A_26, %reduce_sum3A_27 [1] : vector<128x256xf32> to vector<128xf32>
    %broadcast_in_dim3A_29 = vector.shape_cast %reduce_sum3A_28 : vector<128xf32> to vector<128x1xf32>
    %mul3A_30 = arith.constant 5.000000e+00 : f32
    %mul3A_31 = vector.broadcast %mul3A_30 : f32 to vector<128x1xf32>
    %mul3A_32 = arith.mulf %broadcast_in_dim3A_29, %mul3A_31 : vector<128x1xf32>
    %mul3A_33 = arith.mulf %div3A_18, %div3A_25 : vector<128x256xf32>
    %reduce_sum3A_34 = arith.constant dense<0.000000e+00> : vector<128xf32>
    %reduce_sum3A_35 = vector.multi_reduction <add>, %mul3A_33, %reduce_sum3A_34 [1] : vector<128x256xf32> to vector<128xf32>
    %broadcast_in_dim3A_36 = vector.shape_cast %reduce_sum3A_35 : vector<128xf32> to vector<128x1xf32>
    %mul3A_37 = arith.constant 5.000000e+00 : f32
    %mul3A_38 = vector.broadcast %mul3A_37 : f32 to vector<128x1xf32>
    %mul3A_39 = arith.mulf %broadcast_in_dim3A_36, %mul3A_38 : vector<128x1xf32>
    %get3A_40 = arith.constant 0 : index
    %get3A_41 = arith.constant 0 : index
    %get3A_42 = vector.load %arg4[%get3A_40, %get3A_41] : memref<4096x256xf32, #tpu.memory_space<vmem>>, vector<4096x256xf32>
    %reshape3A = vector.shape_cast %get3A_42 : vector<4096x256xf32> to vector<128x32x256xf32>
    %convert_element_type3A_43 = arith.truncf %reshape3A : vector<128x32x256xf32> to vector<128x32x256xbf16>
    %mul3A_44 = arith.mulf %reshape3A, %reshape3A : vector<128x32x256xf32>
    %reduce_sum3A_45 = arith.constant dense<0.000000e+00> : vector<128x32xf32>
    %reduce_sum3A_46 = vector.multi_reduction <add>, %mul3A_44, %reduce_sum3A_45 [2] : vector<128x32x256xf32> to vector<128x32xf32>
    %rsqrt3A = math.rsqrt %reduce_sum3A_46 : vector<128x32xf32>
    %convert_element_type3A_47 = arith.truncf %div3A_11 : vector<128x256xf32> to vector<128x256xbf16>
    %convert_element_type3A_48 = arith.truncf %div3A_18 : vector<128x256xf32> to vector<128x256xbf16>
    %broadcast_in_dim3A_49 = vector.shape_cast %convert_element_type3A_47 : vector<128x256xbf16> to vector<128x1x256xbf16>
    %mul3A_50 = vector.broadcast %broadcast_in_dim3A_49 : vector<128x1x256xbf16> to vector<128x32x256xbf16>
    %mul3A_51 = arith.mulf %mul3A_50, %convert_element_type3A_43 : vector<128x32x256xbf16>
    %convert_element_type3A_52 = arith.extf %mul3A_51 : vector<128x32x256xbf16> to vector<128x32x256xf32>
    %reduce_sum3A_53 = arith.constant dense<0.000000e+00> : vector<128x32xf32>
    %reduce_sum3A_54 = vector.multi_reduction <add>, %convert_element_type3A_52, %reduce_sum3A_53 [2] : vector<128x32x256xf32> to vector<128x32xf32>
    %mul3A_55 = arith.mulf %reduce_sum3A_54, %rsqrt3A : vector<128x32xf32>
    %mul3A_56 = arith.constant 5.000000e+00 : f32
    %mul3A_57 = vector.broadcast %mul3A_56 : f32 to vector<128x32xf32>
    %mul3A_58 = arith.mulf %mul3A_55, %mul3A_57 : vector<128x32xf32>
    %broadcast_in_dim3A_59 = vector.shape_cast %convert_element_type3A_48 : vector<128x256xbf16> to vector<128x1x256xbf16>
    %mul3A_60 = vector.broadcast %broadcast_in_dim3A_59 : vector<128x1x256xbf16> to vector<128x32x256xbf16>
    %mul3A_61 = arith.mulf %mul3A_60, %convert_element_type3A_43 : vector<128x32x256xbf16>
    %convert_element_type3A_62 = arith.extf %mul3A_61 : vector<128x32x256xbf16> to vector<128x32x256xf32>
    %reduce_sum3A_63 = arith.constant dense<0.000000e+00> : vector<128x32xf32>
    %reduce_sum3A_64 = vector.multi_reduction <add>, %convert_element_type3A_62, %reduce_sum3A_63 [2] : vector<128x32x256xf32> to vector<128x32xf32>
    %mul3A_65 = arith.mulf %reduce_sum3A_64, %rsqrt3A : vector<128x32xf32>
    %mul3A_66 = arith.constant 5.000000e+00 : f32
    %mul3A_67 = vector.broadcast %mul3A_66 : f32 to vector<128x32xf32>
    %mul3A_68 = arith.mulf %mul3A_65, %mul3A_67 : vector<128x32xf32>
    %exp3A = math.exp %mul3A_32 : vector<128x1xf32>
    %exp3A_69 = math.exp %mul3A_58 : vector<128x32xf32>
    %reduce_sum3A_70 = arith.constant dense<0.000000e+00> : vector<128xf32>
    %reduce_sum3A_71 = vector.multi_reduction <add>, %exp3A_69, %reduce_sum3A_70 [1] : vector<128x32xf32> to vector<128xf32>
    %broadcast_in_dim3A_72 = vector.shape_cast %reduce_sum3A_71 : vector<128xf32> to vector<128x1xf32>
    %add3A = arith.addf %exp3A, %broadcast_in_dim3A_72 : vector<128x1xf32>
    %log3A = math.log %add3A : vector<128x1xf32>
    %exp3A_73 = math.exp %mul3A_39 : vector<128x1xf32>
    %exp3A_74 = math.exp %mul3A_68 : vector<128x32xf32>
    %reduce_sum3A_75 = arith.constant dense<0.000000e+00> : vector<128xf32>
    %reduce_sum3A_76 = vector.multi_reduction <add>, %exp3A_74, %reduce_sum3A_75 [1] : vector<128x32xf32> to vector<128xf32>
    %broadcast_in_dim3A_77 = vector.shape_cast %reduce_sum3A_76 : vector<128xf32> to vector<128x1xf32>
    %add3A_78 = arith.addf %exp3A_73, %broadcast_in_dim3A_77 : vector<128x1xf32>
    %log3A_79 = math.log %add3A_78 : vector<128x1xf32>
    %get3A_80 = arith.constant 0 : index
    %get3A_81 = arith.constant 0 : index
    %get3A_82 = vector.load %arg7[%get3A_80, %get3A_81] : memref<1x1xf32, #tpu.memory_space<vmem>>, vector<1x1xf32>
    %sub3A = arith.subf %log3A, %mul3A_32 : vector<128x1xf32>
    %reduce_sum3A_83 = vector.shape_cast %sub3A : vector<128x1xf32> to vector<1x128x1xf32>
    %reduce_sum3A_84 = arith.constant dense<0.000000e+00> : vector<1xf32>
    %reduce_sum3A_85 = vector.multi_reduction <add>, %reduce_sum3A_83, %reduce_sum3A_84 [1, 2] : vector<1x128x1xf32> to vector<1xf32>
    %reduce_sum3A_86 = vector.shape_cast %reduce_sum3A_85 : vector<1xf32> to vector<1x1x1xf32>
    %reduce_sum3A_87 = vector.extract %reduce_sum3A_86[0, 0, 0] : f32 from vector<1x1x1xf32>
    %sub3A_88 = arith.subf %log3A_79, %mul3A_39 : vector<128x1xf32>
    %reduce_sum3A_89 = vector.shape_cast %sub3A_88 : vector<128x1xf32> to vector<1x128x1xf32>
    %reduce_sum3A_90 = arith.constant dense<0.000000e+00> : vector<1xf32>
    %reduce_sum3A_91 = vector.multi_reduction <add>, %reduce_sum3A_89, %reduce_sum3A_90 [1, 2] : vector<1x128x1xf32> to vector<1xf32>
    %reduce_sum3A_92 = vector.shape_cast %reduce_sum3A_91 : vector<1xf32> to vector<1x1x1xf32>
    %reduce_sum3A_93 = vector.extract %reduce_sum3A_92[0, 0, 0] : f32 from vector<1x1x1xf32>
    %add3A_94 = arith.addf %reduce_sum3A_87, %reduce_sum3A_93 : f32
    %reshape3A_95 = vector.broadcast %add3A_94 : f32 to vector<1x1xf32>
    %add3A_96 = arith.addf %get3A_82, %reshape3A_95 : vector<1x1xf32>
    %swap3A = arith.constant 0 : index
    %swap3A_97 = arith.constant 0 : index
    %swap3A_98 = vector.load %arg7[%swap3A, %swap3A_97] : memref<1x1xf32, #tpu.memory_space<vmem>>, vector<1x1xf32>
    tpu.vector_store %arg7[%swap3A, %swap3A_97], %add3A_96 {strides = array<i32>} : memref<1x1xf32, #tpu.memory_space<vmem>>, vector<1x1xf32>,
    %eq3A_99 = arith.constant 3 : i32
    %eq3A_100 = arith.cmpi eq, %arg0, %eq3A_99 : i32
    %convert_element_type3A_101 = arith.extui %eq3A_100 : i1 to i32
    %cond3A_102 = arith.constant 0 : i32
    %cond3A_103 = arith.cmpi ne, %convert_element_type3A_101, %cond3A_102 : i32
    scf.if %cond3A_103 {
      %get3A_104 = arith.constant 0 : index
      %get3A_105 = arith.constant 0 : index
      %get3A_106 = vector.load %arg5[%get3A_104, %get3A_105] : memref<1x1xf32, #tpu.memory_space<vmem>>, vector<1x1xf32>
      %get3A_107 = arith.constant 0 : index
      %get3A_108 = arith.constant 0 : index
      %get3A_109 = vector.load %arg7[%get3A_107, %get3A_108] : memref<1x1xf32, #tpu.memory_space<vmem>>, vector<1x1xf32>
      %mul3A_110 = arith.constant 0.001953125 : f32
      %mul3A_111 = vector.broadcast %mul3A_110 : f32 to vector<1x1xf32>
      %mul3A_112 = arith.mulf %get3A_109, %mul3A_111 : vector<1x1xf32>
      %add3A_113 = arith.addf %get3A_106, %mul3A_112 : vector<1x1xf32>
      %swap3A_114 = arith.constant 0 : index
      %swap3A_115 = arith.constant 0 : index
      %swap3A_116 = vector.load %arg6[%swap3A_114, %swap3A_115] : memref<1x1xf32, #tpu.memory_space<vmem>>, vector<1x1xf32>
      tpu.vector_store %arg6[%swap3A_114, %swap3A_115], %add3A_113 {strides = array<i32>} : memref<1x1xf32, #tpu.memory_space<vmem>>, vector<1x1xf32>,
    } else {
    }
    return
  }
  func.func @transform_0(%arg0: i32) -> (i32, i32) {
    %c0_i32 = arith.constant 0 : i32
    %c0_i32_0 = arith.constant 0 : i32
    return %arg0, %c0_i32 : i32, i32
  }
  func.func @transform_1(%arg0: i32) -> (i32, i32) {
    %c0_i32 = arith.constant 0 : i32
    %c0_i32_0 = arith.constant 0 : i32
    return %arg0, %c0_i32 : i32, i32
  }
  func.func @transform_2(%arg0: i32) -> (i32, i32) {
    %c0_i32 = arith.constant 0 : i32
    %c0_i32_0 = arith.constant 0 : i32
    return %arg0, %c0_i32 : i32, i32
  }
  func.func @transform_3(%arg0: i32) -> (i32, i32) {
    %c0_i32 = arith.constant 0 : i32
    %c0_i32_0 = arith.constant 0 : i32
    return %arg0, %c0_i32 : i32, i32
  }
  func.func @transform_4(%arg0: i32) -> (i32, i32) {
    %c0_i32 = arith.constant 0 : i32
    %c0_i32_0 = arith.constant 0 : i32
    %c0_i32_1 = arith.constant 0 : i32
    return %c0_i32, %c0_i32_0 : i32, i32
  }
  func.func @transform_5(%arg0: i32) -> (i32, i32) {
    %c0_i32 = arith.constant 0 : i32
    %c0_i32_0 = arith.constant 0 : i32
    %c0_i32_1 = arith.constant 0 : i32
    return %c0_i32, %c0_i32_0 : i32, i32
  }
}

module attributes {stable_mosaic.version = 14 : i64} {
  func.func @_tc1_body(%arg0: memref<1024x256xf32, #tpu.memory_space<vmem>>, %arg1: memref<512x256xf32, #tpu.memory_space<vmem>>, %arg2: memref<512x1xi32, #tpu.memory_space<vmem>>, %arg3: memref<512x1xf32, #tpu.memory_space<vmem>>, %arg4: memref<256x10000xbf16, #tpu.memory_space<vmem>>, %arg5: memref<1x10000xf32, #tpu.memory_space<vmem>>, %arg6: memref<1x1xf32, #tpu.memory_space<vmem>>) attributes {dimension_semantics = [], scalar_prefetch = 0 : i64, scratch_operands = 0 : i64, tpu.core_type = #tpu.core_type<tc>} {
    %get3A = arith.constant 0 : index
    %get3A_0 = arith.constant 0 : index
    %get3A_1 = vector.load %arg0[%get3A, %get3A_0] : memref<1024x256xf32, #tpu.memory_space<vmem>>, vector<1024x256xf32>
    %mul3A = arith.mulf %get3A_1, %get3A_1 : vector<1024x256xf32>
    %reduce_sum3A = arith.constant dense<0.000000e+00> : vector<1024xf32>
    %reduce_sum3A_2 = vector.multi_reduction <add>, %mul3A, %reduce_sum3A [1] : vector<1024x256xf32> to vector<1024xf32>
    %broadcast_in_dim3A = vector.shape_cast %reduce_sum3A_2 : vector<1024xf32> to vector<1024x1xf32>
    %sqrt3A = math.sqrt %broadcast_in_dim3A : vector<1024x1xf32>
    %add3A = arith.constant 1.000000e-10 : f32
    %add3A_3 = vector.broadcast %add3A : f32 to vector<1024x1xf32>
    %add3A_4 = arith.addf %sqrt3A, %add3A_3 : vector<1024x1xf32>
    %div3A = vector.broadcast %add3A_4 : vector<1024x1xf32> to vector<1024x256xf32>
    %div3A_5 = arith.divf %get3A_1, %div3A : vector<1024x256xf32>
    %convert_element_type3A = arith.truncf %div3A_5 : vector<1024x256xf32> to vector<1024x256xbf16>
    %dot_general3A = arith.constant dense<0.000000e+00> : vector<1024x1024xf32>
    %dot_general3A_6 = tpu.matmul %convert_element_type3A, %convert_element_type3A, %dot_general3A {dimension_numbers = #tpu.dot_dimension_numbers<[1], [1], [0], [0], [0, 0, 1, 0], [], []>, transpose_lhs_hint = false} : vector<1024x256xbf16>, vector<1024x256xbf16>, vector<1024x1024xf32> -> vector<1024x1024xf32>
    %iota3A = tpu.iota {dimensions = array<i32: 0>} : vector<1024x1024xi32>
    %iota3A_7 = tpu.iota {dimensions = array<i32: 1>} : vector<1024x1024xi32>
    %eq3A = arith.cmpi eq, %iota3A, %iota3A_7 : vector<1024x1024xi32>
    %mul3A_8 = arith.constant 5.000000e+00 : f32
    %mul3A_9 = vector.broadcast %mul3A_8 : f32 to vector<1024x1024xf32>
    %mul3A_10 = arith.mulf %dot_general3A_6, %mul3A_9 : vector<1024x1024xf32>
    %jit3A = arith.constant -1.000000e+30 : f32
    %broadcast_in_dim3A_11 = vector.broadcast %jit3A : f32 to vector<1024x1024xf32>
    %select_n3A = arith.select %eq3A, %broadcast_in_dim3A_11, %mul3A_10 : vector<1024x1024xi1>, vector<1024x1024xf32>
    %exp3A = math.exp %select_n3A : vector<1024x1024xf32>
    %reduce_sum3A_12 = arith.constant dense<0.000000e+00> : vector<1024xf32>
    %reduce_sum3A_13 = vector.multi_reduction <add>, %exp3A, %reduce_sum3A_12 [1] : vector<1024x1024xf32> to vector<1024xf32>
    %broadcast_in_dim3A_14 = vector.shape_cast %reduce_sum3A_13 : vector<1024xf32> to vector<1024x1xf32>
    %log3A = math.log %broadcast_in_dim3A_14 : vector<1024x1xf32>
    %xor3A = arith.constant 1 : i32
    %xor3A_15 = vector.broadcast %xor3A : i32 to vector<1024x1024xi32>
    %xor3A_16 = arith.xori %iota3A, %xor3A_15 : vector<1024x1024xi32>
    %eq3A_17 = arith.cmpi eq, %xor3A_16, %iota3A_7 : vector<1024x1024xi32>
    %jit3A_18 = arith.constant 0.000000e+00 : f32
    %broadcast_in_dim3A_19 = vector.broadcast %jit3A_18 : f32 to vector<1024x1024xf32>
    %select_n3A_20 = arith.select %eq3A_17, %dot_general3A_6, %broadcast_in_dim3A_19 : vector<1024x1024xi1>, vector<1024x1024xf32>
    %reduce_sum3A_21 = arith.constant dense<0.000000e+00> : vector<1024xf32>
    %reduce_sum3A_22 = vector.multi_reduction <add>, %select_n3A_20, %reduce_sum3A_21 [1] : vector<1024x1024xf32> to vector<1024xf32>
    %broadcast_in_dim3A_23 = vector.shape_cast %reduce_sum3A_22 : vector<1024xf32> to vector<1024x1xf32>
    %mul3A_24 = arith.constant 5.000000e+00 : f32
    %mul3A_25 = vector.broadcast %mul3A_24 : f32 to vector<1024x1xf32>
    %mul3A_26 = arith.mulf %broadcast_in_dim3A_23, %mul3A_25 : vector<1024x1xf32>
    %sub3A = arith.subf %log3A, %mul3A_26 : vector<1024x1xf32>
    %reduce_sum3A_27 = vector.shape_cast %sub3A : vector<1024x1xf32> to vector<1x1024x1xf32>
    %reduce_sum3A_28 = arith.constant dense<0.000000e+00> : vector<1xf32>
    %reduce_sum3A_29 = vector.multi_reduction <add>, %reduce_sum3A_27, %reduce_sum3A_28 [1, 2] : vector<1x1024x1xf32> to vector<1xf32>
    %reduce_sum3A_30 = vector.shape_cast %reduce_sum3A_29 : vector<1xf32> to vector<1x1x1xf32>
    %reduce_sum3A_31 = vector.extract %reduce_sum3A_30[0, 0, 0] : f32 from vector<1x1x1xf32>
    %div3A_32 = arith.constant 1.024000e+03 : f32
    %div3A_33 = arith.divf %reduce_sum3A_31, %div3A_32 : f32
    %get3A_34 = arith.constant 0 : index
    %get3A_35 = arith.constant 0 : index
    %get3A_36 = vector.load %arg1[%get3A_34, %get3A_35] : memref<512x256xf32, #tpu.memory_space<vmem>>, vector<512x256xf32>
    %convert_element_type3A_37 = arith.truncf %get3A_36 : vector<512x256xf32> to vector<512x256xbf16>
    %get3A_38 = arith.constant 0 : index
    %get3A_39 = arith.constant 0 : index
    %get3A_40 = vector.load %arg2[%get3A_38, %get3A_39] : memref<512x1xi32, #tpu.memory_space<vmem>>, vector<512x1xi32>
    %jit3A_41 = arith.constant 1024 : i32
    %div3A_42 = vector.broadcast %jit3A_41 : i32 to vector<512x1xi32>
    %div3A_43 = arith.divsi %get3A_40, %div3A_42 : vector<512x1xi32>
    %sign3A = arith.constant 0 : i32
    %sign3A_44 = vector.broadcast %sign3A : i32 to vector<512x1xi32>
    %sign3A_45 = arith.cmpi sgt, %get3A_40, %sign3A_44 : vector<512x1xi32>
    %sign3A_46 = arith.extui %sign3A_45 : vector<512x1xi1> to vector<512x1xi32>
    %sign3A_47 = arith.constant 0 : i32
    %sign3A_48 = vector.broadcast %sign3A_47 : i32 to vector<512x1xi32>
    %sign3A_49 = arith.cmpi slt, %get3A_40, %sign3A_48 : vector<512x1xi32>
    %sign3A_50 = arith.extui %sign3A_49 : vector<512x1xi1> to vector<512x1xi32>
    %sign3A_51 = arith.subi %sign3A_46, %sign3A_50 : vector<512x1xi32>
    %sign3A_52 = arith.constant 0 : i32
    %sign3A_53 = arith.cmpi sgt, %jit3A_41, %sign3A_52 : i32
    %sign3A_54 = arith.extui %sign3A_53 : i1 to i32
    %sign3A_55 = arith.constant 0 : i32
    %sign3A_56 = arith.cmpi slt, %jit3A_41, %sign3A_55 : i32
    %sign3A_57 = arith.extui %sign3A_56 : i1 to i32
    %sign3A_58 = arith.subi %sign3A_54, %sign3A_57 : i32
    %ne3A = vector.broadcast %sign3A_58 : i32 to vector<512x1xi32>
    %ne3A_59 = arith.cmpi ne, %sign3A_51, %ne3A : vector<512x1xi32>
    %rem3A = vector.broadcast %jit3A_41 : i32 to vector<512x1xi32>
    %rem3A_60 = arith.remsi %get3A_40, %rem3A : vector<512x1xi32>
    %ne3A_61 = arith.constant 0 : i32
    %ne3A_62 = vector.broadcast %ne3A_61 : i32 to vector<512x1xi32>
    %ne3A_63 = arith.cmpi ne, %rem3A_60, %ne3A_62 : vector<512x1xi32>
    %and3A = arith.andi %ne3A_59, %ne3A_63 : vector<512x1xi1>
    %sub3A_64 = arith.constant 1 : i32
    %sub3A_65 = vector.broadcast %sub3A_64 : i32 to vector<512x1xi32>
    %sub3A_66 = arith.subi %div3A_43, %sub3A_65 : vector<512x1xi32>
    %select_n3A_67 = arith.select %and3A, %sub3A_66, %div3A_43 : vector<512x1xi1>, vector<512x1xi32>
    %iota3A_68 = tpu.iota {dimensions = array<i32: 1>} : vector<512x1024xi32>
    %mul3A_69 = arith.constant 1024 : i32
    %mul3A_70 = vector.broadcast %mul3A_69 : i32 to vector<512x1xi32>
    %mul3A_71 = arith.muli %select_n3A_67, %mul3A_70 : vector<512x1xi32>
    %sub3A_72 = arith.subi %get3A_40, %mul3A_71 : vector<512x1xi32>
    %eq3A_73 = vector.broadcast %sub3A_72 : vector<512x1xi32> to vector<512x1024xi32>
    %eq3A_74 = arith.cmpi eq, %iota3A_68, %eq3A_73 : vector<512x1024xi32>
    %broadcast_in_dim3A_75 = arith.constant 0.000000e+00 : f32
    %broadcast_in_dim3A_76 = vector.broadcast %broadcast_in_dim3A_75 : f32 to vector<512x1xf32>
    %broadcast_in_dim3A_77 = arith.constant 0.000000e+00 : f32
    %broadcast_in_dim3A_78 = vector.broadcast %broadcast_in_dim3A_77 : f32 to vector<512x1xf32>
    %get3A_79 = arith.constant 0 : index
    %get3A_80 = arith.constant 0 : index
    %get3A_81 = vector.load %arg4[%get3A_79, %get3A_80] : memref<256x10000xbf16, #tpu.memory_space<vmem>>, vector<256x1024xbf16>
    %dot_general3A_82 = arith.constant dense<0.000000e+00> : vector<512x1024xf32>
    %dot_general3A_83 = tpu.matmul %convert_element_type3A_37, %get3A_81, %dot_general3A_82 {dimension_numbers = #tpu.dot_dimension_numbers<[1], [0], [0], [1], [0, 0, 1, 1], [], []>, transpose_lhs_hint = false} : vector<512x256xbf16>, vector<256x1024xbf16>, vector<512x1024xf32> -> vector<512x1024xf32>
    %get3A_84 = arith.constant 0 : index
    %get3A_85 = arith.constant 0 : index
    %get3A_86 = vector.load %arg5[%get3A_84, %get3A_85] : memref<1x10000xf32, #tpu.memory_space<vmem>>, vector<1x1024xf32>
    %add3A_87 = vector.broadcast %get3A_86 : vector<1x1024xf32> to vector<512x1024xf32>
    %add3A_88 = arith.addf %dot_general3A_83, %add3A_87 : vector<512x1024xf32>
    %jit3A_89 = arith.constant 0.000000e+00 : f32
    %broadcast_in_dim3A_90 = vector.broadcast %jit3A_89 : f32 to vector<512x1024xf32>
    %select_n3A_91 = arith.select %eq3A_74, %add3A_88, %broadcast_in_dim3A_90 : vector<512x1024xi1>, vector<512x1024xf32>
    %reduce_sum3A_92 = arith.constant dense<0.000000e+00> : vector<512xf32>
    %reduce_sum3A_93 = vector.multi_reduction <add>, %select_n3A_91, %reduce_sum3A_92 [1] : vector<512x1024xf32> to vector<512xf32>
    %broadcast_in_dim3A_94 = vector.shape_cast %reduce_sum3A_93 : vector<512xf32> to vector<512x1xf32>
    %eq3A_95 = arith.constant 0 : i32
    %eq3A_96 = vector.broadcast %eq3A_95 : i32 to vector<512x1xi32>
    %eq3A_97 = arith.cmpi eq, %select_n3A_67, %eq3A_96 : vector<512x1xi32>
    %jit3A_98 = arith.constant 0.000000e+00 : f32
    %broadcast_in_dim3A_99 = vector.broadcast %jit3A_98 : f32 to vector<512x1xf32>
    %select_n3A_100 = arith.select %eq3A_97, %broadcast_in_dim3A_94, %broadcast_in_dim3A_99 : vector<512x1xi1>, vector<512x1xf32>
    %add3A_101 = arith.addf %broadcast_in_dim3A_78, %select_n3A_100 : vector<512x1xf32>
    %exp3A_102 = math.exp %add3A_88 : vector<512x1024xf32>
    %reduce_sum3A_103 = arith.constant dense<0.000000e+00> : vector<512xf32>
    %reduce_sum3A_104 = vector.multi_reduction <add>, %exp3A_102, %reduce_sum3A_103 [1] : vector<512x1024xf32> to vector<512xf32>
    %broadcast_in_dim3A_105 = vector.shape_cast %reduce_sum3A_104 : vector<512xf32> to vector<512x1xf32>
    %add3A_106 = arith.addf %broadcast_in_dim3A_76, %broadcast_in_dim3A_105 : vector<512x1xf32>
    %get3A_107 = arith.constant 0 : index
    %get3A_108 = arith.constant 1024 : index
    %get3A_109 = vector.load %arg4[%get3A_107, %get3A_108] : memref<256x10000xbf16, #tpu.memory_space<vmem>>, vector<256x1024xbf16>
    %dot_general3A_110 = arith.constant dense<0.000000e+00> : vector<512x1024xf32>
    %dot_general3A_111 = tpu.matmul %convert_element_type3A_37, %get3A_109, %dot_general3A_110 {dimension_numbers = #tpu.dot_dimension_numbers<[1], [0], [0], [1], [0, 0, 1, 1], [], []>, transpose_lhs_hint = false} : vector<512x256xbf16>, vector<256x1024xbf16>, vector<512x1024xf32> -> vector<512x1024xf32>
    %get3A_112 = arith.constant 0 : index
    %get3A_113 = arith.constant 1024 : index
    %get3A_114 = vector.load %arg5[%get3A_112, %get3A_113] : memref<1x10000xf32, #tpu.memory_space<vmem>>, vector<1x1024xf32>
    %add3A_115 = vector.broadcast %get3A_114 : vector<1x1024xf32> to vector<512x1024xf32>
    %add3A_116 = arith.addf %dot_general3A_111, %add3A_115 : vector<512x1024xf32>
    %jit3A_117 = arith.constant 0.000000e+00 : f32
    %broadcast_in_dim3A_118 = vector.broadcast %jit3A_117 : f32 to vector<512x1024xf32>
    %select_n3A_119 = arith.select %eq3A_74, %add3A_116, %broadcast_in_dim3A_118 : vector<512x1024xi1>, vector<512x1024xf32>
    %reduce_sum3A_120 = arith.constant dense<0.000000e+00> : vector<512xf32>
    %reduce_sum3A_121 = vector.multi_reduction <add>, %select_n3A_119, %reduce_sum3A_120 [1] : vector<512x1024xf32> to vector<512xf32>
    %broadcast_in_dim3A_122 = vector.shape_cast %reduce_sum3A_121 : vector<512xf32> to vector<512x1xf32>
    %eq3A_123 = arith.constant 1 : i32
    %eq3A_124 = vector.broadcast %eq3A_123 : i32 to vector<512x1xi32>
    %eq3A_125 = arith.cmpi eq, %select_n3A_67, %eq3A_124 : vector<512x1xi32>
    %jit3A_126 = arith.constant 0.000000e+00 : f32
    %broadcast_in_dim3A_127 = vector.broadcast %jit3A_126 : f32 to vector<512x1xf32>
    %select_n3A_128 = arith.select %eq3A_125, %broadcast_in_dim3A_122, %broadcast_in_dim3A_127 : vector<512x1xi1>, vector<512x1xf32>
    %add3A_129 = arith.addf %add3A_101, %select_n3A_128 : vector<512x1xf32>
    %exp3A_130 = math.exp %add3A_116 : vector<512x1024xf32>
    %reduce_sum3A_131 = arith.constant dense<0.000000e+00> : vector<512xf32>
    %reduce_sum3A_132 = vector.multi_reduction <add>, %exp3A_130, %reduce_sum3A_131 [1] : vector<512x1024xf32> to vector<512xf32>
    %broadcast_in_dim3A_133 = vector.shape_cast %reduce_sum3A_132 : vector<512xf32> to vector<512x1xf32>
    %add3A_134 = arith.addf %add3A_106, %broadcast_in_dim3A_133 : vector<512x1xf32>
    %get3A_135 = arith.constant 0 : index
    %get3A_136 = arith.constant 2048 : index
    %get3A_137 = vector.load %arg4[%get3A_135, %get3A_136] : memref<256x10000xbf16, #tpu.memory_space<vmem>>, vector<256x1024xbf16>
    %dot_general3A_138 = arith.constant dense<0.000000e+00> : vector<512x1024xf32>
    %dot_general3A_139 = tpu.matmul %convert_element_type3A_37, %get3A_137, %dot_general3A_138 {dimension_numbers = #tpu.dot_dimension_numbers<[1], [0], [0], [1], [0, 0, 1, 1], [], []>, transpose_lhs_hint = false} : vector<512x256xbf16>, vector<256x1024xbf16>, vector<512x1024xf32> -> vector<512x1024xf32>
    %get3A_140 = arith.constant 0 : index
    %get3A_141 = arith.constant 2048 : index
    %get3A_142 = vector.load %arg5[%get3A_140, %get3A_141] : memref<1x10000xf32, #tpu.memory_space<vmem>>, vector<1x1024xf32>
    %add3A_143 = vector.broadcast %get3A_142 : vector<1x1024xf32> to vector<512x1024xf32>
    %add3A_144 = arith.addf %dot_general3A_139, %add3A_143 : vector<512x1024xf32>
    %jit3A_145 = arith.constant 0.000000e+00 : f32
    %broadcast_in_dim3A_146 = vector.broadcast %jit3A_145 : f32 to vector<512x1024xf32>
    %select_n3A_147 = arith.select %eq3A_74, %add3A_144, %broadcast_in_dim3A_146 : vector<512x1024xi1>, vector<512x1024xf32>
    %reduce_sum3A_148 = arith.constant dense<0.000000e+00> : vector<512xf32>
    %reduce_sum3A_149 = vector.multi_reduction <add>, %select_n3A_147, %reduce_sum3A_148 [1] : vector<512x1024xf32> to vector<512xf32>
    %broadcast_in_dim3A_150 = vector.shape_cast %reduce_sum3A_149 : vector<512xf32> to vector<512x1xf32>
    %eq3A_151 = arith.constant 2 : i32
    %eq3A_152 = vector.broadcast %eq3A_151 : i32 to vector<512x1xi32>
    %eq3A_153 = arith.cmpi eq, %select_n3A_67, %eq3A_152 : vector<512x1xi32>
    %jit3A_154 = arith.constant 0.000000e+00 : f32
    %broadcast_in_dim3A_155 = vector.broadcast %jit3A_154 : f32 to vector<512x1xf32>
    %select_n3A_156 = arith.select %eq3A_153, %broadcast_in_dim3A_150, %broadcast_in_dim3A_155 : vector<512x1xi1>, vector<512x1xf32>
    %add3A_157 = arith.addf %add3A_129, %select_n3A_156 : vector<512x1xf32>
    %exp3A_158 = math.exp %add3A_144 : vector<512x1024xf32>
    %reduce_sum3A_159 = arith.constant dense<0.000000e+00> : vector<512xf32>
    %reduce_sum3A_160 = vector.multi_reduction <add>, %exp3A_158, %reduce_sum3A_159 [1] : vector<512x1024xf32> to vector<512xf32>
    %broadcast_in_dim3A_161 = vector.shape_cast %reduce_sum3A_160 : vector<512xf32> to vector<512x1xf32>
    %add3A_162 = arith.addf %add3A_134, %broadcast_in_dim3A_161 : vector<512x1xf32>
    %get3A_163 = arith.constant 0 : index
    %get3A_164 = arith.constant 3072 : index
    %get3A_165 = vector.load %arg4[%get3A_163, %get3A_164] : memref<256x10000xbf16, #tpu.memory_space<vmem>>, vector<256x1024xbf16>
    %dot_general3A_166 = arith.constant dense<0.000000e+00> : vector<512x1024xf32>
    %dot_general3A_167 = tpu.matmul %convert_element_type3A_37, %get3A_165, %dot_general3A_166 {dimension_numbers = #tpu.dot_dimension_numbers<[1], [0], [0], [1], [0, 0, 1, 1], [], []>, transpose_lhs_hint = false} : vector<512x256xbf16>, vector<256x1024xbf16>, vector<512x1024xf32> -> vector<512x1024xf32>
    %get3A_168 = arith.constant 0 : index
    %get3A_169 = arith.constant 3072 : index
    %get3A_170 = vector.load %arg5[%get3A_168, %get3A_169] : memref<1x10000xf32, #tpu.memory_space<vmem>>, vector<1x1024xf32>
    %add3A_171 = vector.broadcast %get3A_170 : vector<1x1024xf32> to vector<512x1024xf32>
    %add3A_172 = arith.addf %dot_general3A_167, %add3A_171 : vector<512x1024xf32>
    %jit3A_173 = arith.constant 0.000000e+00 : f32
    %broadcast_in_dim3A_174 = vector.broadcast %jit3A_173 : f32 to vector<512x1024xf32>
    %select_n3A_175 = arith.select %eq3A_74, %add3A_172, %broadcast_in_dim3A_174 : vector<512x1024xi1>, vector<512x1024xf32>
    %reduce_sum3A_176 = arith.constant dense<0.000000e+00> : vector<512xf32>
    %reduce_sum3A_177 = vector.multi_reduction <add>, %select_n3A_175, %reduce_sum3A_176 [1] : vector<512x1024xf32> to vector<512xf32>
    %broadcast_in_dim3A_178 = vector.shape_cast %reduce_sum3A_177 : vector<512xf32> to vector<512x1xf32>
    %eq3A_179 = arith.constant 3 : i32
    %eq3A_180 = vector.broadcast %eq3A_179 : i32 to vector<512x1xi32>
    %eq3A_181 = arith.cmpi eq, %select_n3A_67, %eq3A_180 : vector<512x1xi32>
    %jit3A_182 = arith.constant 0.000000e+00 : f32
    %broadcast_in_dim3A_183 = vector.broadcast %jit3A_182 : f32 to vector<512x1xf32>
    %select_n3A_184 = arith.select %eq3A_181, %broadcast_in_dim3A_178, %broadcast_in_dim3A_183 : vector<512x1xi1>, vector<512x1xf32>
    %add3A_185 = arith.addf %add3A_157, %select_n3A_184 : vector<512x1xf32>
    %exp3A_186 = math.exp %add3A_172 : vector<512x1024xf32>
    %reduce_sum3A_187 = arith.constant dense<0.000000e+00> : vector<512xf32>
    %reduce_sum3A_188 = vector.multi_reduction <add>, %exp3A_186, %reduce_sum3A_187 [1] : vector<512x1024xf32> to vector<512xf32>
    %broadcast_in_dim3A_189 = vector.shape_cast %reduce_sum3A_188 : vector<512xf32> to vector<512x1xf32>
    %add3A_190 = arith.addf %add3A_162, %broadcast_in_dim3A_189 : vector<512x1xf32>
    %get3A_191 = arith.constant 0 : index
    %get3A_192 = arith.constant 4096 : index
    %get3A_193 = vector.load %arg4[%get3A_191, %get3A_192] : memref<256x10000xbf16, #tpu.memory_space<vmem>>, vector<256x1024xbf16>
    %dot_general3A_194 = arith.constant dense<0.000000e+00> : vector<512x1024xf32>
    %dot_general3A_195 = tpu.matmul %convert_element_type3A_37, %get3A_193, %dot_general3A_194 {dimension_numbers = #tpu.dot_dimension_numbers<[1], [0], [0], [1], [0, 0, 1, 1], [], []>, transpose_lhs_hint = false} : vector<512x256xbf16>, vector<256x1024xbf16>, vector<512x1024xf32> -> vector<512x1024xf32>
    %get3A_196 = arith.constant 0 : index
    %get3A_197 = arith.constant 4096 : index
    %get3A_198 = vector.load %arg5[%get3A_196, %get3A_197] : memref<1x10000xf32, #tpu.memory_space<vmem>>, vector<1x1024xf32>
    %add3A_199 = vector.broadcast %get3A_198 : vector<1x1024xf32> to vector<512x1024xf32>
    %add3A_200 = arith.addf %dot_general3A_195, %add3A_199 : vector<512x1024xf32>
    %jit3A_201 = arith.constant 0.000000e+00 : f32
    %broadcast_in_dim3A_202 = vector.broadcast %jit3A_201 : f32 to vector<512x1024xf32>
    %select_n3A_203 = arith.select %eq3A_74, %add3A_200, %broadcast_in_dim3A_202 : vector<512x1024xi1>, vector<512x1024xf32>
    %reduce_sum3A_204 = arith.constant dense<0.000000e+00> : vector<512xf32>
    %reduce_sum3A_205 = vector.multi_reduction <add>, %select_n3A_203, %reduce_sum3A_204 [1] : vector<512x1024xf32> to vector<512xf32>
    %broadcast_in_dim3A_206 = vector.shape_cast %reduce_sum3A_205 : vector<512xf32> to vector<512x1xf32>
    %eq3A_207 = arith.constant 4 : i32
    %eq3A_208 = vector.broadcast %eq3A_207 : i32 to vector<512x1xi32>
    %eq3A_209 = arith.cmpi eq, %select_n3A_67, %eq3A_208 : vector<512x1xi32>
    %jit3A_210 = arith.constant 0.000000e+00 : f32
    %broadcast_in_dim3A_211 = vector.broadcast %jit3A_210 : f32 to vector<512x1xf32>
    %select_n3A_212 = arith.select %eq3A_209, %broadcast_in_dim3A_206, %broadcast_in_dim3A_211 : vector<512x1xi1>, vector<512x1xf32>
    %add3A_213 = arith.addf %add3A_185, %select_n3A_212 : vector<512x1xf32>
    %exp3A_214 = math.exp %add3A_200 : vector<512x1024xf32>
    %reduce_sum3A_215 = arith.constant dense<0.000000e+00> : vector<512xf32>
    %reduce_sum3A_216 = vector.multi_reduction <add>, %exp3A_214, %reduce_sum3A_215 [1] : vector<512x1024xf32> to vector<512xf32>
    %broadcast_in_dim3A_217 = vector.shape_cast %reduce_sum3A_216 : vector<512xf32> to vector<512x1xf32>
    %add3A_218 = arith.addf %add3A_190, %broadcast_in_dim3A_217 : vector<512x1xf32>
    %get3A_219 = arith.constant 0 : index
    %get3A_220 = arith.constant 5120 : index
    %get3A_221 = vector.load %arg4[%get3A_219, %get3A_220] : memref<256x10000xbf16, #tpu.memory_space<vmem>>, vector<256x1024xbf16>
    %dot_general3A_222 = arith.constant dense<0.000000e+00> : vector<512x1024xf32>
    %dot_general3A_223 = tpu.matmul %convert_element_type3A_37, %get3A_221, %dot_general3A_222 {dimension_numbers = #tpu.dot_dimension_numbers<[1], [0], [0], [1], [0, 0, 1, 1], [], []>, transpose_lhs_hint = false} : vector<512x256xbf16>, vector<256x1024xbf16>, vector<512x1024xf32> -> vector<512x1024xf32>
    %get3A_224 = arith.constant 0 : index
    %get3A_225 = arith.constant 5120 : index
    %get3A_226 = vector.load %arg5[%get3A_224, %get3A_225] : memref<1x10000xf32, #tpu.memory_space<vmem>>, vector<1x1024xf32>
    %add3A_227 = vector.broadcast %get3A_226 : vector<1x1024xf32> to vector<512x1024xf32>
    %add3A_228 = arith.addf %dot_general3A_223, %add3A_227 : vector<512x1024xf32>
    %jit3A_229 = arith.constant 0.000000e+00 : f32
    %broadcast_in_dim3A_230 = vector.broadcast %jit3A_229 : f32 to vector<512x1024xf32>
    %select_n3A_231 = arith.select %eq3A_74, %add3A_228, %broadcast_in_dim3A_230 : vector<512x1024xi1>, vector<512x1024xf32>
    %reduce_sum3A_232 = arith.constant dense<0.000000e+00> : vector<512xf32>
    %reduce_sum3A_233 = vector.multi_reduction <add>, %select_n3A_231, %reduce_sum3A_232 [1] : vector<512x1024xf32> to vector<512xf32>
    %broadcast_in_dim3A_234 = vector.shape_cast %reduce_sum3A_233 : vector<512xf32> to vector<512x1xf32>
    %eq3A_235 = arith.constant 5 : i32
    %eq3A_236 = vector.broadcast %eq3A_235 : i32 to vector<512x1xi32>
    %eq3A_237 = arith.cmpi eq, %select_n3A_67, %eq3A_236 : vector<512x1xi32>
    %jit3A_238 = arith.constant 0.000000e+00 : f32
    %broadcast_in_dim3A_239 = vector.broadcast %jit3A_238 : f32 to vector<512x1xf32>
    %select_n3A_240 = arith.select %eq3A_237, %broadcast_in_dim3A_234, %broadcast_in_dim3A_239 : vector<512x1xi1>, vector<512x1xf32>
    %add3A_241 = arith.addf %add3A_213, %select_n3A_240 : vector<512x1xf32>
    %exp3A_242 = math.exp %add3A_228 : vector<512x1024xf32>
    %reduce_sum3A_243 = arith.constant dense<0.000000e+00> : vector<512xf32>
    %reduce_sum3A_244 = vector.multi_reduction <add>, %exp3A_242, %reduce_sum3A_243 [1] : vector<512x1024xf32> to vector<512xf32>
    %broadcast_in_dim3A_245 = vector.shape_cast %reduce_sum3A_244 : vector<512xf32> to vector<512x1xf32>
    %add3A_246 = arith.addf %add3A_218, %broadcast_in_dim3A_245 : vector<512x1xf32>
    %get3A_247 = arith.constant 0 : index
    %get3A_248 = arith.constant 6144 : index
    %get3A_249 = vector.load %arg4[%get3A_247, %get3A_248] : memref<256x10000xbf16, #tpu.memory_space<vmem>>, vector<256x1024xbf16>
    %dot_general3A_250 = arith.constant dense<0.000000e+00> : vector<512x1024xf32>
    %dot_general3A_251 = tpu.matmul %convert_element_type3A_37, %get3A_249, %dot_general3A_250 {dimension_numbers = #tpu.dot_dimension_numbers<[1], [0], [0], [1], [0, 0, 1, 1], [], []>, transpose_lhs_hint = false} : vector<512x256xbf16>, vector<256x1024xbf16>, vector<512x1024xf32> -> vector<512x1024xf32>
    %get3A_252 = arith.constant 0 : index
    %get3A_253 = arith.constant 6144 : index
    %get3A_254 = vector.load %arg5[%get3A_252, %get3A_253] : memref<1x10000xf32, #tpu.memory_space<vmem>>, vector<1x1024xf32>
    %add3A_255 = vector.broadcast %get3A_254 : vector<1x1024xf32> to vector<512x1024xf32>
    %add3A_256 = arith.addf %dot_general3A_251, %add3A_255 : vector<512x1024xf32>
    %jit3A_257 = arith.constant 0.000000e+00 : f32
    %broadcast_in_dim3A_258 = vector.broadcast %jit3A_257 : f32 to vector<512x1024xf32>
    %select_n3A_259 = arith.select %eq3A_74, %add3A_256, %broadcast_in_dim3A_258 : vector<512x1024xi1>, vector<512x1024xf32>
    %reduce_sum3A_260 = arith.constant dense<0.000000e+00> : vector<512xf32>
    %reduce_sum3A_261 = vector.multi_reduction <add>, %select_n3A_259, %reduce_sum3A_260 [1] : vector<512x1024xf32> to vector<512xf32>
    %broadcast_in_dim3A_262 = vector.shape_cast %reduce_sum3A_261 : vector<512xf32> to vector<512x1xf32>
    %eq3A_263 = arith.constant 6 : i32
    %eq3A_264 = vector.broadcast %eq3A_263 : i32 to vector<512x1xi32>
    %eq3A_265 = arith.cmpi eq, %select_n3A_67, %eq3A_264 : vector<512x1xi32>
    %jit3A_266 = arith.constant 0.000000e+00 : f32
    %broadcast_in_dim3A_267 = vector.broadcast %jit3A_266 : f32 to vector<512x1xf32>
    %select_n3A_268 = arith.select %eq3A_265, %broadcast_in_dim3A_262, %broadcast_in_dim3A_267 : vector<512x1xi1>, vector<512x1xf32>
    %add3A_269 = arith.addf %add3A_241, %select_n3A_268 : vector<512x1xf32>
    %exp3A_270 = math.exp %add3A_256 : vector<512x1024xf32>
    %reduce_sum3A_271 = arith.constant dense<0.000000e+00> : vector<512xf32>
    %reduce_sum3A_272 = vector.multi_reduction <add>, %exp3A_270, %reduce_sum3A_271 [1] : vector<512x1024xf32> to vector<512xf32>
    %broadcast_in_dim3A_273 = vector.shape_cast %reduce_sum3A_272 : vector<512xf32> to vector<512x1xf32>
    %add3A_274 = arith.addf %add3A_246, %broadcast_in_dim3A_273 : vector<512x1xf32>
    %get3A_275 = arith.constant 0 : index
    %get3A_276 = arith.constant 7168 : index
    %get3A_277 = vector.load %arg4[%get3A_275, %get3A_276] : memref<256x10000xbf16, #tpu.memory_space<vmem>>, vector<256x1024xbf16>
    %dot_general3A_278 = arith.constant dense<0.000000e+00> : vector<512x1024xf32>
    %dot_general3A_279 = tpu.matmul %convert_element_type3A_37, %get3A_277, %dot_general3A_278 {dimension_numbers = #tpu.dot_dimension_numbers<[1], [0], [0], [1], [0, 0, 1, 1], [], []>, transpose_lhs_hint = false} : vector<512x256xbf16>, vector<256x1024xbf16>, vector<512x1024xf32> -> vector<512x1024xf32>
    %get3A_280 = arith.constant 0 : index
    %get3A_281 = arith.constant 7168 : index
    %get3A_282 = vector.load %arg5[%get3A_280, %get3A_281] : memref<1x10000xf32, #tpu.memory_space<vmem>>, vector<1x1024xf32>
    %add3A_283 = vector.broadcast %get3A_282 : vector<1x1024xf32> to vector<512x1024xf32>
    %add3A_284 = arith.addf %dot_general3A_279, %add3A_283 : vector<512x1024xf32>
    %jit3A_285 = arith.constant 0.000000e+00 : f32
    %broadcast_in_dim3A_286 = vector.broadcast %jit3A_285 : f32 to vector<512x1024xf32>
    %select_n3A_287 = arith.select %eq3A_74, %add3A_284, %broadcast_in_dim3A_286 : vector<512x1024xi1>, vector<512x1024xf32>
    %reduce_sum3A_288 = arith.constant dense<0.000000e+00> : vector<512xf32>
    %reduce_sum3A_289 = vector.multi_reduction <add>, %select_n3A_287, %reduce_sum3A_288 [1] : vector<512x1024xf32> to vector<512xf32>
    %broadcast_in_dim3A_290 = vector.shape_cast %reduce_sum3A_289 : vector<512xf32> to vector<512x1xf32>
    %eq3A_291 = arith.constant 7 : i32
    %eq3A_292 = vector.broadcast %eq3A_291 : i32 to vector<512x1xi32>
    %eq3A_293 = arith.cmpi eq, %select_n3A_67, %eq3A_292 : vector<512x1xi32>
    %jit3A_294 = arith.constant 0.000000e+00 : f32
    %broadcast_in_dim3A_295 = vector.broadcast %jit3A_294 : f32 to vector<512x1xf32>
    %select_n3A_296 = arith.select %eq3A_293, %broadcast_in_dim3A_290, %broadcast_in_dim3A_295 : vector<512x1xi1>, vector<512x1xf32>
    %add3A_297 = arith.addf %add3A_269, %select_n3A_296 : vector<512x1xf32>
    %exp3A_298 = math.exp %add3A_284 : vector<512x1024xf32>
    %reduce_sum3A_299 = arith.constant dense<0.000000e+00> : vector<512xf32>
    %reduce_sum3A_300 = vector.multi_reduction <add>, %exp3A_298, %reduce_sum3A_299 [1] : vector<512x1024xf32> to vector<512xf32>
    %broadcast_in_dim3A_301 = vector.shape_cast %reduce_sum3A_300 : vector<512xf32> to vector<512x1xf32>
    %add3A_302 = arith.addf %add3A_274, %broadcast_in_dim3A_301 : vector<512x1xf32>
    %get3A_303 = arith.constant 0 : index
    %get3A_304 = arith.constant 8192 : index
    %get3A_305 = vector.load %arg4[%get3A_303, %get3A_304] : memref<256x10000xbf16, #tpu.memory_space<vmem>>, vector<256x1024xbf16>
    %dot_general3A_306 = arith.constant dense<0.000000e+00> : vector<512x1024xf32>
    %dot_general3A_307 = tpu.matmul %convert_element_type3A_37, %get3A_305, %dot_general3A_306 {dimension_numbers = #tpu.dot_dimension_numbers<[1], [0], [0], [1], [0, 0, 1, 1], [], []>, transpose_lhs_hint = false} : vector<512x256xbf16>, vector<256x1024xbf16>, vector<512x1024xf32> -> vector<512x1024xf32>
    %get3A_308 = arith.constant 0 : index
    %get3A_309 = arith.constant 8192 : index
    %get3A_310 = vector.load %arg5[%get3A_308, %get3A_309] : memref<1x10000xf32, #tpu.memory_space<vmem>>, vector<1x1024xf32>
    %add3A_311 = vector.broadcast %get3A_310 : vector<1x1024xf32> to vector<512x1024xf32>
    %add3A_312 = arith.addf %dot_general3A_307, %add3A_311 : vector<512x1024xf32>
    %jit3A_313 = arith.constant 0.000000e+00 : f32
    %broadcast_in_dim3A_314 = vector.broadcast %jit3A_313 : f32 to vector<512x1024xf32>
    %select_n3A_315 = arith.select %eq3A_74, %add3A_312, %broadcast_in_dim3A_314 : vector<512x1024xi1>, vector<512x1024xf32>
    %reduce_sum3A_316 = arith.constant dense<0.000000e+00> : vector<512xf32>
    %reduce_sum3A_317 = vector.multi_reduction <add>, %select_n3A_315, %reduce_sum3A_316 [1] : vector<512x1024xf32> to vector<512xf32>
    %broadcast_in_dim3A_318 = vector.shape_cast %reduce_sum3A_317 : vector<512xf32> to vector<512x1xf32>
    %eq3A_319 = arith.constant 8 : i32
    %eq3A_320 = vector.broadcast %eq3A_319 : i32 to vector<512x1xi32>
    %eq3A_321 = arith.cmpi eq, %select_n3A_67, %eq3A_320 : vector<512x1xi32>
    %jit3A_322 = arith.constant 0.000000e+00 : f32
    %broadcast_in_dim3A_323 = vector.broadcast %jit3A_322 : f32 to vector<512x1xf32>
    %select_n3A_324 = arith.select %eq3A_321, %broadcast_in_dim3A_318, %broadcast_in_dim3A_323 : vector<512x1xi1>, vector<512x1xf32>
    %add3A_325 = arith.addf %add3A_297, %select_n3A_324 : vector<512x1xf32>
    %exp3A_326 = math.exp %add3A_312 : vector<512x1024xf32>
    %reduce_sum3A_327 = arith.constant dense<0.000000e+00> : vector<512xf32>
    %reduce_sum3A_328 = vector.multi_reduction <add>, %exp3A_326, %reduce_sum3A_327 [1] : vector<512x1024xf32> to vector<512xf32>
    %broadcast_in_dim3A_329 = vector.shape_cast %reduce_sum3A_328 : vector<512xf32> to vector<512x1xf32>
    %add3A_330 = arith.addf %add3A_302, %broadcast_in_dim3A_329 : vector<512x1xf32>
    %get3A_331 = arith.constant 0 : index
    %get3A_332 = arith.constant 9216 : index
    %get3A_333 = vector.load %arg4[%get3A_331, %get3A_332] : memref<256x10000xbf16, #tpu.memory_space<vmem>>, vector<256x784xbf16>
    %dot_general3A_334 = arith.constant dense<0.000000e+00> : vector<512x784xf32>
    %dot_general3A_335 = tpu.matmul %convert_element_type3A_37, %get3A_333, %dot_general3A_334 {dimension_numbers = #tpu.dot_dimension_numbers<[1], [0], [0], [1], [0, 0, 1, 1], [], []>, transpose_lhs_hint = false} : vector<512x256xbf16>, vector<256x784xbf16>, vector<512x784xf32> -> vector<512x784xf32>
    %get3A_336 = arith.constant 0 : index
    %get3A_337 = arith.constant 9216 : index
    %get3A_338 = vector.load %arg5[%get3A_336, %get3A_337] : memref<1x10000xf32, #tpu.memory_space<vmem>>, vector<1x784xf32>
    %add3A_339 = vector.broadcast %get3A_338 : vector<1x784xf32> to vector<512x784xf32>
    %add3A_340 = arith.addf %dot_general3A_335, %add3A_339 : vector<512x784xf32>
    %slice3A = vector.extract_strided_slice %eq3A_74 {offsets = [0, 0], sizes = [512, 784], strides = [1, 1]} : vector<512x1024xi1> to vector<512x784xi1>
    %jit3A_341 = arith.constant 0.000000e+00 : f32
    %broadcast_in_dim3A_342 = vector.broadcast %jit3A_341 : f32 to vector<512x784xf32>
    %select_n3A_343 = arith.select %slice3A, %add3A_340, %broadcast_in_dim3A_342 : vector<512x784xi1>, vector<512x784xf32>
    %reduce_sum3A_344 = arith.constant dense<0.000000e+00> : vector<512xf32>
    %reduce_sum3A_345 = vector.multi_reduction <add>, %select_n3A_343, %reduce_sum3A_344 [1] : vector<512x784xf32> to vector<512xf32>
    %broadcast_in_dim3A_346 = vector.shape_cast %reduce_sum3A_345 : vector<512xf32> to vector<512x1xf32>
    %eq3A_347 = arith.constant 9 : i32
    %eq3A_348 = vector.broadcast %eq3A_347 : i32 to vector<512x1xi32>
    %eq3A_349 = arith.cmpi eq, %select_n3A_67, %eq3A_348 : vector<512x1xi32>
    %jit3A_350 = arith.constant 0.000000e+00 : f32
    %broadcast_in_dim3A_351 = vector.broadcast %jit3A_350 : f32 to vector<512x1xf32>
    %select_n3A_352 = arith.select %eq3A_349, %broadcast_in_dim3A_346, %broadcast_in_dim3A_351 : vector<512x1xi1>, vector<512x1xf32>
    %add3A_353 = arith.addf %add3A_325, %select_n3A_352 : vector<512x1xf32>
    %exp3A_354 = math.exp %add3A_340 : vector<512x784xf32>
    %reduce_sum3A_355 = arith.constant dense<0.000000e+00> : vector<512xf32>
    %reduce_sum3A_356 = vector.multi_reduction <add>, %exp3A_354, %reduce_sum3A_355 [1] : vector<512x784xf32> to vector<512xf32>
    %broadcast_in_dim3A_357 = vector.shape_cast %reduce_sum3A_356 : vector<512xf32> to vector<512x1xf32>
    %add3A_358 = arith.addf %add3A_330, %broadcast_in_dim3A_357 : vector<512x1xf32>
    %log3A_359 = math.log %add3A_358 : vector<512x1xf32>
    %sub3A_360 = arith.subf %log3A_359, %add3A_353 : vector<512x1xf32>
    %get3A_361 = arith.constant 0 : index
    %get3A_362 = arith.constant 0 : index
    %get3A_363 = vector.load %arg3[%get3A_361, %get3A_362] : memref<512x1xf32, #tpu.memory_space<vmem>>, vector<512x1xf32>
    %mul3A_364 = arith.mulf %get3A_363, %sub3A_360 : vector<512x1xf32>
    %reduce_sum3A_365 = vector.shape_cast %mul3A_364 : vector<512x1xf32> to vector<1x512x1xf32>
    %reduce_sum3A_366 = arith.constant dense<0.000000e+00> : vector<1xf32>
    %reduce_sum3A_367 = vector.multi_reduction <add>, %reduce_sum3A_365, %reduce_sum3A_366 [1, 2] : vector<1x512x1xf32> to vector<1xf32>
    %reduce_sum3A_368 = vector.shape_cast %reduce_sum3A_367 : vector<1xf32> to vector<1x1x1xf32>
    %reduce_sum3A_369 = vector.extract %reduce_sum3A_368[0, 0, 0] : f32 from vector<1x1x1xf32>
    %reduce_sum3A_370 = vector.shape_cast %get3A_363 : vector<512x1xf32> to vector<1x512x1xf32>
    %reduce_sum3A_371 = arith.constant dense<0.000000e+00> : vector<1xf32>
    %reduce_sum3A_372 = vector.multi_reduction <add>, %reduce_sum3A_370, %reduce_sum3A_371 [1, 2] : vector<1x512x1xf32> to vector<1xf32>
    %reduce_sum3A_373 = vector.shape_cast %reduce_sum3A_372 : vector<1xf32> to vector<1x1x1xf32>
    %reduce_sum3A_374 = vector.extract %reduce_sum3A_373[0, 0, 0] : f32 from vector<1x1x1xf32>
    %div3A_375 = arith.divf %reduce_sum3A_369, %reduce_sum3A_374 : f32
    %add3A_376 = arith.addf %div3A_33, %div3A_375 : f32
    %reshape3A = vector.broadcast %add3A_376 : f32 to vector<1x1xf32>
    %swap3A = arith.constant 0 : index
    %swap3A_377 = arith.constant 0 : index
    %swap3A_378 = vector.load %arg6[%swap3A, %swap3A_377] : memref<1x1xf32, #tpu.memory_space<vmem>>, vector<1x1xf32>
    tpu.vector_store %arg6[%swap3A, %swap3A_377], %reshape3A {strides = array<i32>} : memref<1x1xf32, #tpu.memory_space<vmem>>, vector<1x1xf32>,
    return
  }
}

</mosaic_0001>

<sc_bundles>
// kernel: kernel.6.cloned.1.call-start
scs
__scs_entry_jumppad:
0x0: {  	(pc) =	sbr.rel $0x88, $3  }
0x1: {  	(tag) =	ssettag $0x0;
	lr =	simm.s32 $0x1  }
0x2: {  	[smem:$0x3F99] =	sst lr;
	_ =	strace $0xD0000000  }
0x3: {  	_ = 	snop  }
0x4: {  	_ = 	snop  }
0x5: {  	_ = 	snop  }
0x6: {  	_ = 	snop  }
0x7: {  	_ = 	snop  }
__scs_overlays_trampoline_lowered:
0x8: {  	[smem:$0x3FA8] =	sst s0  }
0x9: {  	[smem:$0x3FA9] =	sst s1  }
0xa: {  	[smem:$0x3FAA] =	sst s2  }
0xb: {  	[smem:$0x3FAB] =	sst s3  }
0xc: {  	[smem:$0x3FAC] =	sst s4  }
0xd: {  	[smem:$0x3FAD] =	sst s5  }
0xe: {  	[smem:$0x3FAE] =	sst s6  }
0xf: {  	[smem:$0x3FAF] =	sst s7  }
0x10: {  	[smem:$0x3FB0] =	sst s8  }
0x11: {  	[smem:$0x3FB1] =	sst s9;
	s0 =	simm.s32 @!p0 $0x0  }
0x12: {  	s1 =	sld [smem:$0x3F97];
	s0 =	simm.s32 @p0 $0x1  }
0x13: {  	[smem:$0x3FB2] =	sst s0;
	s0 =	simm.s32 @!p1 $0x0  }
0x14: {  	s2 =	sld [smem:$0x3F96];
	s0 =	simm.s32 @p1 $0x1  }
0x15: {  	[smem:$0x3FB3] =	sst s0;
	s0 =	simm.s32 @!p2 $0x0  }
0x16: {  	s3 =	sld [smem:$0x3FDB];
	s0 =	simm.s32 @p2 $0x1  }
0x17: {  	s4 =	simm.s32 $0x1BF5;
	[smem:$0x3FB5] =	sst s0  }
0x18: {  	s0 =	sld [smem:$0x3F98];
	_ =	swait.ge [sflag:s4], $0x0  }
0x19: {  	s7 =	sld [smem:$0x3F99]  }
0x1a: {  	s8 =	sadd.s32 $0xFFFFE003, lr  }
0x1b: {  	s9 =	sadd.s32 $0xFFFFFEF7, lr;
	s5 =	simm.s32 $0xFFFFFFFF;
	p2 =	slt.u32 s8, $0xFFFFF086  }
0x1c: {  	p1 =	slt.u32 s9, $0xF7A;
	s5 =	simm.s32 @!p2 $0x0  }
0x1d: {  	s5 =	simm.s32 @p1 $0x1;
	p0 =	seq.s32 s7, s2  }
0x1e: {  	s7 =	smul.u32 @!p0 $0xF7A, s2;
	p2 =	seq.s32 @!p0 s5, $0x0  }
0x1f: {  	s9 =	smul.u32 $0xF7A, s1;
	s8 =	simm.s32 @!p0 $0x1BF5;
	p2 =	por !p2, p0  }
0x20: {  	[sflag:s8] =	ssyncset.s32 @!p0 $0xFFFFF086;
	s6 =	sadd.s32 @!p0 s3, s7;
	s7 =	simm.s32 @!p0 $0x108  }
0x21: {  	s3 =	sadd.s32 s3, s9;
	s6 =	sadd.s32 @!p0 $0x88, s6;
	s7 =	simm.s32 @p2 $0x1082  }
0x22: {  	[simem:s7], [sflag:s8] =	dma.local @!p0 [hbm:s6], $0xF7A  }
0x23: {  	s9 =	sor.u32 $0xD0000000, s2;
	s6 =	simm.s32 $0x108;
	_ =	swait.ge @!p0 [sflag:s8], $0x0  }
0x24: {  	s3 =	sadd.s32 $0x88, s3;
	s6 =	simm.s32 @!p1 $0x1082;
	[sflag:s4] =	ssyncset.s32 $0xFFFFF086  }
0x25: {  	[simem:s6], [sflag:s4] =	dma.local [hbm:s3], $0xF7A  }
0x26: {  	[smem:$0x3F99] =	sst s1;
	(tag) =	ssettag s2;
	_ =	strace s9  }
0x27: {  	s1 =	sld [smem:$0x3FA9]  }
0x28: {  	s2 =	sld [smem:$0x3FAA]  }
0x29: {  	s4 =	sld [smem:$0x3FAC]  }
0x2a: {  	p0 =	seq.s32 s5, $0x0;
	s5 =	sld [smem:$0x3FAD]  }
0x2b: {  	s6 =	sld [smem:$0x3FAE]  }
0x2c: {  	s7 =	sld [smem:$0x3FAF]  }
0x2d: {  	s3 =	simm.s32 $0x108;
	s8 =	sld [smem:$0x3FB0]  }
0x2e: {  	s3 =	simm.s32 @!p0 $0x1082;
	s9 =	sld [smem:$0x3FB1]  }
0x2f: {  	lr =	sadd.s32 s0, s3;
	s0 =	sld [smem:$0x3FA8]  }
0x30: {  	s3 =	sld [smem:$0x3FAB]  }
0x31: {  	[smem:$0x3FB4] =	sst s10  }
0x32: {  	s10 =	sld [smem:$0x3FB2];
	_ =	sdelay $0x3  }
0x33: {  	p0 =	seq.s32 s10, $0x1;
	s10 =	sld [smem:$0x3FB4];
	_ =	sdelay $0x3  }
0x34: {  	[smem:$0x3FB4] =	sst s10  }
0x35: {  	s10 =	sld [smem:$0x3FB3];
	_ =	sdelay $0x3  }
0x36: {  	p1 =	seq.s32 s10, $0x1;
	s10 =	sld [smem:$0x3FB4];
	_ =	sdelay $0x3  }
0x37: {  	[smem:$0x3FB4] =	sst s10  }
0x38: {  	s10 =	sld [smem:$0x3FB5]  }
0x39: {  	_ = 	snop;
	(pc) =	sbr.ind lr, $3  }
0x3a: {  	_ = 	snop  }
0x3b: {  	_ = 	snop  }
0x3c: {  	p2 =	seq.s32 s10, $0x1;
	s10 =	sld [smem:$0x3FB4]  }
0x3d: {  	_ =	shalt  }
0x3e: {  	_ =	shalt  }
0x3f: {  	_ =	shalt  }
0x40: {  	_ =	shalt  }
0x41: {  	_ =	shalt  }
0x42: {  	_ =	shalt  }
0x43: {  	_ =	shalt  }
0x44: {  	_ =	shalt  }
0x45: {  	_ =	shalt  }
0x46: {  	_ =	shalt  }
0x47: {  	_ =	shalt  }
0x48: {  	_ =	shalt  }
0x49: {  	_ =	shalt  }
0x4a: {  	_ =	shalt  }
0x4b: {  	_ =	shalt  }
0x4c: {  	_ =	shalt  }
0x4d: {  	_ =	shalt  }
0x4e: {  	_ =	shalt  }
0x4f: {  	_ =	shalt  }
0x50: {  	_ =	shalt  }
0x51: {  	_ =	shalt  }
0x52: {  	_ =	shalt  }
0x53: {  	_ =	shalt  }
0x54: {  	_ =	shalt  }
0x55: {  	_ =	shalt  }
0x56: {  	_ =	shalt  }
0x57: {  	_ =	shalt  }
0x58: {  	_ =	shalt  }
0x59: {  	_ =	shalt  }
0x5a: {  	_ =	shalt  }
0x5b: {  	_ =	shalt  }
0x5c: {  	_ =	shalt  }
0x5d: {  	_ =	shalt  }
0x5e: {  	_ =	shalt  }
0x5f: {  	_ =	shalt  }
0x60: {  	_ =	shalt  }
0x61: {  	_ =	shalt  }
0x62: {  	_ =	shalt  }
0x63: {  	_ =	shalt  }
0x64: {  	_ =	shalt  }
0x65: {  	_ =	shalt  }
0x66: {  	_ =	shalt  }
0x67: {  	_ =	shalt  }
0x68: {  	_ =	shalt  }
0x69: {  	_ =	shalt  }
0x6a: {  	_ =	shalt  }
0x6b: {  	_ =	shalt  }
0x6c: {  	_ =	shalt  }
0x6d: {  	_ =	shalt  }
0x6e: {  	_ =	shalt  }
0x6f: {  	_ =	shalt  }
0x70: {  	_ =	shalt  }
0x71: {  	_ =	shalt  }
0x72: {  	_ =	shalt  }
0x73: {  	_ =	shalt  }
0x74: {  	_ =	shalt  }
0x75: {  	_ =	shalt  }
0x76: {  	_ =	shalt  }
0x77: {  	_ =	shalt  }
0x78: {  	_ =	shalt  }
0x79: {  	_ =	shalt  }
0x7a: {  	_ =	shalt  }
0x7b: {  	_ =	shalt  }
0x7c: {  	_ =	shalt  }
0x7d: {  	_ =	shalt  }
0x7e: {  	_ =	shalt  }
0x7f: {  	_ =	shalt  }
0x80: {  	_ =	shalt  }
0x81: {  	_ =	shalt  }
0x82: {  	_ =	shalt  }
0x83: {  	_ =	shalt  }
0x84: {  	_ =	shalt  }
0x85: {  	_ =	shalt  }
0x86: {  	_ =	shalt  }
0x87: {  	_ =	shalt  }
.Lfunc_end0:
.L_simem_size_0:
called_computation_lowered:
.L_overlay_start_0:
0x88: {  	s2 =	sld [smem:$0x3FD9]  }
0x89: {  	s3 =	sld [smem:$0x3FFE];
	_ =	sdelay $0x1  }
0x8a: {  	s1 =	srdreg.scid  }
0x8b: {  	s0 =	sand.u32 $0x1, s1  }
0x8c: {  	s17 =	sshll.u32 s0, $0xA;
	s2 =	sadd.s32 s3, s2  }
0x8d: {  	s2 =	sadd.s32 s2, s17  }
0x8e: {  	[smem:$0x3FC0] =	sst s2  }
0x8f: {  	_ = 	snop  }
0x90: {  	s2 =	sld [smem:$0x3FC8]  }
0x91: {  	s18 =	sld [smem:$0x3FC6]  }
0x92: {  	s4 =	sld [smem:$0x3FC5]  }
0x93: {  	s5 =	sld [smem:$0x3FC2];
	(tm) =	ssettm $0x1  }
0x94: {  	s6 =	sld [smem:$0x3FFB];
	_ =	sdelay $0x3  }
0x95: {  	_ =	strace s6  }
0x96: {  	s6 =	sld [smem:$0x3FFC];
	_ =	sdelay $0x3  }
0x97: {  	_ =	strace s6  }
0x98: {  	s6 =	sld [smem:$0x3FFD];
	_ =	sdelay $0x3  }
0x99: {  	_ =	strace s6  }
0x9a: {  	_ =	strace $0x8FFFFFFF  }
0x9b: {  	s19 =	sld [smem:$0x3FDB];
	_ =	sdelay $0x1  }
0x9c: {  	s7 =	simm.s32 $_scs_section_size  }
0x9d: {  	s8 =	simm.s32 $_size__tile_overlayer_lowered;
	s9 =	simm.s32 $_tile_overlayer_lowered  }
0x9e: {  	s22 =	simm.s32 $0x1BFF;
	s21 =	sshll.u32 s9, $0x1;
	s6 =	sadd.s32 s7, s19  }
0x9f: {  	s10 =	simm.s32 $0x0;
	s20 =	sshll.u32 s8, $0x1;
	s8 =	sadd.s32 s21, s6  }
0xa0: {  	[timem:s10], [sflag:s22] =	dma.local [hbm:s8], s20  }
0xa1: {  	_ =	swait.ge [sflag:s22], s20  }
0xa2: {  	s7 =	ssub.s32 $0x0, s20;
	[sflag:s22] =	ssyncset.done $0x0  }
0xa3: {  	[sflag:s22] =	ssyncadd.s32 s7;
	_ =	sdelay $0x1  }
0xa4: {  	s23 =	simm.s32 $0x1B8B  }
0xa5: {  	_ =	swait.ge [sflag:s23], $0x1  }
0xa6: {  	[sflag:s23] =	ssyncset.done $0x0  }
0xa7: {  	s25 =	simm.s32 $0x1B8E;
	s24 =	sld [smem:$0x3FFE];
	[sflag:s23] =	ssyncadd.s32 $0xFFFFFFFF  }
0xa8: {  	s26 =	simm.s32 $execute0_lowered;
	[smem:$0x3FD2] =	sst s25  }
0xa9: {  	s8 =	sshll.u32 s26, $0x1;
	_ =	strace $0x80000046;
	[dreg:$0x1] =	wrdreg $0xFFFFFFFF  }
0xaa: {  	s28 =	simm.s32 $_size_execute0_lowered;
	s6 =	sadd.s32 s6, s8;
	[dreg:$0x0] =	wrdreg $0x0  }
0xab: {  	s8 =	sshll.u32 s28, $0x1;
	[dreg:$0x2] =	wrdreg s6  }
0xac: {  	[dreg:$0x3] =	wrdreg s8  }
0xad: {  	[dreg:$0x4] =	wrdreg $0xC0  }
0xae: {  	_ =	task [dreg:s10], $0x5FFFF  }
0xaf: {  	[dreg:$0x1] =	wrdreg $0xFFFFFFFF  }
0xb0: {  	[dreg:$0x0] =	wrdreg $0x60  }
0xb1: {  	[dreg:$0x2] =	wrdreg s2  }
0xb2: {  	[dreg:$0x3] =	wrdreg s18  }
0xb3: {  	[dreg:$0x4] =	wrdreg s4  }
0xb4: {  	[dreg:$0x5] =	wrdreg s5  }
0xb5: {  	[dreg:$0x6] =	wrdreg s24  }
0xb6: {  	[dreg:$0x7] =	wrdreg $0x9  }
0xb7: {  	_ =	task.clear_ibuf [dreg:s10], $0x8FFFF;
	_ =	strace $0x90000046  }
0xb8: {  	s29 =	simm.s32 $0x9;
	_ =	strace $0x80000048  }
0xb9: {  	_ =	swait.ge [sflag:s29], $0x1  }
0xba: {  	[sflag:s29] =	ssyncadd.s32 $0xFFFFFFFF  }
0xbb: {  	_ =	strace $0x90000048  }
0xbc: {  	_ =	sfence  }
0xbd: {  	s30 =	sld [smem:$0x0];
	_ =	sdelay $0x2  }
0xbe: {  	s31 =	sshll.u32 s1, $0xD;
	s1 =	sshrl.u32 s1, $0x2  }
0xbf: {  	s3 =	sand.u32 $0x4000, s31;
	s1 =	sadd.s32 s1, s30  }
0xc0: {  	s0 =	sor.u32 s3, s0;
	s1 =	sshll.u32 s1, $0x11  }
0xc1: {  	s0 =	sor.u32 s1, s0  }
0xc2: {  	s0 =	sadd.s32 $0x8F2B, s0  }
0xc3: {  	[sflag:s0] =	ssyncadd.remote.s32 $0x1  }
0xc4: {  	_ =	sfence.sel $0xFFFF  }
0xc5: {  	[dreg:$0x0] =	wrdreg $0xFFFFFFFF;
	(pc) =	sbr.abs _section_cstart, $3  }
0xc6: {  	[dreg:$0x1] =	wrdreg $0xFFFFFFFF  }
0xc7: {  	_ =	task.clear_ibuf [dreg:s10], $0x2FFFF;
	_ =	strace $0x9FFFFFFF  }
0xc8: {  	(tm) =	ssettm $0x7FFFFFFF  }
0xc9: {  	_ =	shalt  }
tec
execute0_lowered:
.L_overlay_start_1:
0x0: {  	(tag) =	ssettag $0x1  }
0x1: {  	s6 =	rddreg [dreg:$0x0]  }
0x2: {  	s1 =	rddreg [dreg:$0x1]  }
0x3: {  	s2 =	rddreg [dreg:$0x2];
	s3 =	srdreg.scid  }
0x4: {  	s4 =	rddreg [dreg:$0x3];
	s0 =	stileid.u32;
	s15 =	sand.u32 $0x1, s3  }
0x5: {  	s16 =	rddreg [dreg:$0x4];
	s7 =	sshll.u32 s0, $0x5;
	s8 =	sshll.u32 s15, $0x4  }
0x6: {  	s5 =	simm.s32 $0x0;
	s3 =	rddreg [dreg:$0x5];
	s17 =	sor.u32 s8, s7  }
0x7: {  	[smem:$0x7FF] =	sst s5;
	s11 =	sshrl.u32 s17, $0x3  }
0x8: {  	_ =	strace $0x80000047;
	s7 =	sadd.s32 s6, s11;
	s6 =	simm.s32 $0x2  }
0x9: {  	[tilespmem:s5], [sflag:$0x2] =	stream.linear.gather [hbm4b:s7+s5], $0x10, $0x38;
	[tilespmem:$0x1180] =	vst v63  }
0xa: {  	_ =	swait.ge [sflag:s6], $0x10  }
0xb: {  	s9 =	simm.s32 $0x80;
	[sflag:s6] =	ssyncset.done $0x0  }
0xc: {  	s10 =	simm.s32 $0x1;
	s8 =	simm.s32 $0x10;
	[sflag:s6] =	ssyncadd.s32 $0xFFFFFFF0  }
0xd: {  	[tilespmem:s9], [sflag:$0x1] =	stream.indirect.gather [hbm4b:s2+s8], $0x1, s5, s8, $0xb8;
	[tilespmem:$0x1180] =	vst v63  }
0xe: {  	_ =	swait.ge [sflag:s10], $0x10  }
0xf: {  	s13 =	sadd.s32 s11, s16;
	[sflag:s10] =	ssyncset.done $0x0  }
0x10: {  	s11 =	sadd.s32 $0x2200, s13;
	[sflag:s10] =	ssyncadd.s32 $0xFFFFFFF0  }
0x11: {  	[hbm4b:s11+s5] =	stream.linear.scatter [tilespmem:s9], [sflag:$0x2], $0x10, $0x38;
	[tilespmem:$0x1180] =	vst v63  }
0x12: {  	_ =	swait.ge [sflag:s6], $0x10  }
0x13: {  	[sflag:s6] =	ssyncset.done $0x0  }
0x14: {  	s12 =	simm.s32 $0x100;
	[sflag:s6] =	ssyncadd.s32 $0xFFFFFFF0  }
0x15: {  	[tilespmem:s12], [sflag:$0x1] =	stream.indirect.gather [hbm4b:s4+s8], $0x1, s9, s8, $0xb8;
	[tilespmem:$0x1180] =	vst v63  }
0x16: {  	_ =	swait.ge [sflag:s10], $0x10  }
0x17: {  	[sflag:s10] =	ssyncset.done $0x0  }
0x18: {  	s13 =	sadd.s32 $0x2400, s13;
	[sflag:s10] =	ssyncadd.s32 $0xFFFFFFF0  }
0x19: {  	[hbm4b:s13+s5] =	stream.linear.scatter [tilespmem:s12], [sflag:$0x2], $0x10, $0x38;
	[tilespmem:$0x1180] =	vst v63  }
0x1a: {  	_ =	swait.ge [sflag:s6], $0x10  }
0x1b: {  	[sflag:s6] =	ssyncset.done $0x0  }
0x1c: {  	[sflag:s6] =	ssyncadd.s32 $0xFFFFFFF0  }
0x1d: {  	v0 =	vld [tilespmem:$0x80];
	_ =	sdelay $0x4  }
0x1e: {  	v1 =	vshll.u32 v0, $0x1  }
0x1f: {  	v2 =	vlaneseq.u32;
	v3 =	vand.u32 $0x7, v0;
	v1 =	vand.u32 $0xFFFFFFF0, v1  }
0x20: {  	v4 =	vshrl.u32 v2, $0x3;
	v0 =	vand.u32 $0x7, v2;
	v3 =	vor.u32 v3, v1  }
0x21: {  	v1 =	vmul.u32 $0x8, v4;
	v63 =	vperm.xlane v3, v0  }
0x22: {  	v2 =	vor.u32 $0x8, v2  }
0x23: {  	v3 =	vperm.xlane v3, v2;
	v4 =	vadd.s32 v1, v63;
	_ =	sdelay $0x1  }
0x24: {  	s18 =	ssub.s32 $0x2, s15;
	v3 =	vadd.s32 v1, v3  }
0x25: {  	s19 =	sshrl.u32 s18, $0x1  }
0x26: {  	vm0 =	vmmov $0xffff;
	s14 =	simm.s32 $0x180;
	s17 =	sshll.u32 s17, $0x5;
	s31 =	ssub.s32 s18, s19  }
0x27: {  	[tilespmem:s14], [sflag:$0x1] =	stream.indirect_vreg.gather [hbm4b:s1+s5], $0x80, v4, vm0, $0xb8;
	[tilespmem:$0x1180] =	vst v63  }
0x28: {  	s15 =	simm.s32 $0x980;
	s16 =	sadd.s32 s17, s16;
	s17 =	smax.u32 s31, $0x1  }
0x29: {  	[tilespmem:s15], [sflag:$0x1] =	stream.indirect_vreg.gather [hbm4b:s1+s5], $0x80, v3, vm0, $0xb8;
	[tilespmem:$0x1180] =	vst v63  }
0x2a: {  	p0 =	sne.s32 s17, $0x1;
	_ =	swait.ge [sflag:s10], $0x1000  }
.Ltmp0:
0x2b: {  	[sflag:s10] =	ssyncset.done $0x0;
	(pc) =	sbr.rel @!p0 .LBB2_2-.Ltmp0, $4  }
0x2c: {  	s16 =	sadd.s32 $0x2600, s16;
	[sflag:s10] =	ssyncadd.s32 $0xFFFFF000  }
0x2d: {  	[hbm4b:s16+s5] =	stream.linear.scatter [tilespmem:s14], [sflag:$0x2], $0x1000, $0x38;
	[tilespmem:$0x1180] =	vst v63  }
0x2e: {  	_ =	swait.ge [sflag:s6], $0x1000  }
0x2f: {  	s17 =	sadd.s32 $0xFFFFFFFF, s17;
	[sflag:s6] =	ssyncset.done $0x0  }
.LBB2_1:
0x30: {  	p0 =	sne.s32 s17, $0x1;
	s17 =	sadd.s32 $0xFFFFFFFF, s17;
	[sflag:s6] =	ssyncadd.s32 $0xFFFFF000  }
0x31: {  	[tilespmem:s5], [sflag:$0x2] =	stream.linear.gather [hbm4b:s7+s5], $0x10, $0x38;
	[tilespmem:$0x1180] =	vst v63  }
0x32: {  	_ =	swait.ge [sflag:s6], $0x10  }
0x33: {  	[sflag:s6] =	ssyncset.done $0x0  }
0x34: {  	[sflag:s6] =	ssyncadd.s32 $0xFFFFFFF0  }
0x35: {  	[tilespmem:s9], [sflag:$0x1] =	stream.indirect.gather [hbm4b:s2+s8], $0x1, s5, s8, $0xb8;
	[tilespmem:$0x1180] =	vst v63  }
0x36: {  	_ =	swait.ge [sflag:s10], $0x10  }
0x37: {  	[sflag:s10] =	ssyncset.done $0x0  }
0x38: {  	[sflag:s10] =	ssyncadd.s32 $0xFFFFFFF0  }
0x39: {  	[hbm4b:s11+s5] =	stream.linear.scatter [tilespmem:s9], [sflag:$0x2], $0x10, $0x38;
	[tilespmem:$0x1180] =	vst v63  }
0x3a: {  	_ =	swait.ge [sflag:s6], $0x10  }
0x3b: {  	[sflag:s6] =	ssyncset.done $0x0  }
0x3c: {  	[sflag:s6] =	ssyncadd.s32 $0xFFFFFFF0  }
0x3d: {  	[tilespmem:s12], [sflag:$0x1] =	stream.indirect.gather [hbm4b:s4+s8], $0x1, s9, s8, $0xb8;
	[tilespmem:$0x1180] =	vst v63  }
0x3e: {  	_ =	swait.ge [sflag:s10], $0x10  }
0x3f: {  	[sflag:s10] =	ssyncset.done $0x0  }
0x40: {  	[sflag:s10] =	ssyncadd.s32 $0xFFFFFFF0  }
0x41: {  	[hbm4b:s13+s5] =	stream.linear.scatter [tilespmem:s12], [sflag:$0x2], $0x10, $0x38;
	[tilespmem:$0x1180] =	vst v63  }
0x42: {  	_ =	swait.ge [sflag:s6], $0x10  }
0x43: {  	[sflag:s6] =	ssyncset.done $0x0  }
0x44: {  	[sflag:s6] =	ssyncadd.s32 $0xFFFFFFF0  }
0x45: {  	v3 =	vld [tilespmem:$0x80];
	_ =	sdelay $0x4  }
0x46: {  	v4 =	vshll.u32 v3, $0x1  }
0x47: {  	v3 =	vand.u32 $0x7, v3;
	v4 =	vand.u32 $0xFFFFFFF0, v4  }
0x48: {  	v3 =	vor.u32 v3, v4  }
0x49: {  	v4 =	vperm.xlane v3, v0;
	v3 =	vperm.xlane v3, v2;
	_ =	sdelay $0x1  }
0x4a: {  	v4 =	vadd.s32 v1, v4;
	_ =	sdelay $0x1  }
0x4b: {  	v3 =	vadd.s32 v1, v3;
	_ =	sdelay $0x2  }
0x4c: {  	[tilespmem:s14], [sflag:$0x1] =	stream.indirect_vreg.gather [hbm4b:s1+s5], $0x80, v4, vm0, $0xb8;
	[tilespmem:$0x1180] =	vst v63  }
0x4d: {  	_ = 	snop  }
0x4e: {  	[tilespmem:s15], [sflag:$0x1] =	stream.indirect_vreg.gather [hbm4b:s1+s5], $0x80, v3, vm0, $0xb8;
	[tilespmem:$0x1180] =	vst v63  }
0x4f: {  	_ =	swait.ge [sflag:s10], $0x1000  }
.Ltmp1:
0x50: {  	[sflag:s10] =	ssyncset.done $0x0;
	(pc) =	sbr.rel @p0 .LBB2_1-.Ltmp1, $4  }
0x51: {  	[sflag:s10] =	ssyncadd.s32 $0xFFFFF000  }
0x52: {  	[hbm4b:s16+s5] =	stream.linear.scatter [tilespmem:s14], [sflag:$0x2], $0x1000, $0x38;
	[tilespmem:$0x1180] =	vst v63  }
0x53: {  	_ =	swait.ge [sflag:s6], $0x1000  }
0x54: {  	[sflag:s6] =	ssyncset.done $0x0  }
.LBB2_2:
0x55: {  	[sflag:s6] =	ssyncadd.s32 $0xFFFFF000  }
0x56: {  	_ =	sfence.sel $0x180000  }
0x57: {  	[bflag:$0x0] =	sbarrier.arrive $0xFFFF  }
0x58: {  	p0 =	sne.s32 s0, $0x0;
	_ =	strace $0x90000047  }
0x59: {  	s0 =	sadd.s32 @!p0 $0x100000, s3;
	[bflag:$0x2] =	sbarrier.arrive $0xFFFF  }
0x5a: {  	[sflag:s0] =	ssyncadd.tile.s32 @!p0 $0x1;
	_ =	shalt  }
.Lfunc_end2:
_tile_overlayer_lowered:
.L_overlay_start_2:
0x5b: {  	(tag) =	ssettag $0x2  }
0x5c: {  	s0 =	rddreg [dreg:$0x0];
	s2 =	stileid.u32  }
0x5d: {  	s1 =	rddreg [dreg:$0x1];
	p0 =	sne.s32 s2, $0x0  }
0x5e: {  	s3 =	rddreg [dreg:$0x2];
	[bflag:$0x3] =	sbarrier.arrive $0xFFFF;
	s2 =	simm.s32 @!p0 $0x1C02  }
0x5f: {  	[timem:s3], [sflag:s2] =	dma.local @!p0 [hbm:s0], s1  }
0x60: {  	s0 =	simm.s32 @!p0 $0x2  }
0x61: {  	_ =	swait.ge @!p0 [sflag:s0], s1  }
0x62: {  	s1 =	ssub.s32 @!p0 $0x0, s1;
	[sflag:s0] =	ssyncset.done @!p0 $0x0  }
0x63: {  	[sflag:s0] =	ssyncadd.s32 @!p0 s1  }
0x64: {  	[bflag:$0x3] =	sbarrier.arrive $0xFFFF  }
0x65: {  	_ =	shalt  }

// kernel: kernel.9.cloned.1.call-start
scs
__scs_entry_jumppad:
0x0: {  	(pc) =	sbr.rel $0x88, $3  }
0x1: {  	(tag) =	ssettag $0x0;
	lr =	simm.s32 $0x1  }
0x2: {  	[smem:$0x3F99] =	sst lr;
	_ =	strace $0xD0000000  }
0x3: {  	_ = 	snop  }
0x4: {  	_ = 	snop  }
0x5: {  	_ = 	snop  }
0x6: {  	_ = 	snop  }
0x7: {  	_ = 	snop  }
__scs_overlays_trampoline_lowered:
0x8: {  	[smem:$0x3FA8] =	sst s0  }
0x9: {  	[smem:$0x3FA9] =	sst s1  }
0xa: {  	[smem:$0x3FAA] =	sst s2  }
0xb: {  	[smem:$0x3FAB] =	sst s3  }
0xc: {  	[smem:$0x3FAC] =	sst s4  }
0xd: {  	[smem:$0x3FAD] =	sst s5  }
0xe: {  	[smem:$0x3FAE] =	sst s6  }
0xf: {  	[smem:$0x3FAF] =	sst s7  }
0x10: {  	[smem:$0x3FB0] =	sst s8  }
0x11: {  	[smem:$0x3FB1] =	sst s9;
	s0 =	simm.s32 @!p0 $0x0  }
0x12: {  	s1 =	sld [smem:$0x3F97];
	s0 =	simm.s32 @p0 $0x1  }
0x13: {  	[smem:$0x3FB2] =	sst s0;
	s0 =	simm.s32 @!p1 $0x0  }
0x14: {  	s2 =	sld [smem:$0x3F96];
	s0 =	simm.s32 @p1 $0x1  }
0x15: {  	[smem:$0x3FB3] =	sst s0;
	s0 =	simm.s32 @!p2 $0x0  }
0x16: {  	s3 =	sld [smem:$0x3FDB];
	s0 =	simm.s32 @p2 $0x1  }
0x17: {  	s4 =	simm.s32 $0x1BF5;
	[smem:$0x3FB5] =	sst s0  }
0x18: {  	s0 =	sld [smem:$0x3F98];
	_ =	swait.ge [sflag:s4], $0x0  }
0x19: {  	s7 =	sld [smem:$0x3F99]  }
0x1a: {  	s8 =	sadd.s32 $0xFFFFE003, lr  }
0x1b: {  	s9 =	sadd.s32 $0xFFFFFEF7, lr;
	s5 =	simm.s32 $0xFFFFFFFF;
	p2 =	slt.u32 s8, $0xFFFFF086  }
0x1c: {  	p1 =	slt.u32 s9, $0xF7A;
	s5 =	simm.s32 @!p2 $0x0  }
0x1d: {  	s5 =	simm.s32 @p1 $0x1;
	p0 =	seq.s32 s7, s2  }
0x1e: {  	s7 =	smul.u32 @!p0 $0xF7A, s2;
	p2 =	seq.s32 @!p0 s5, $0x0  }
0x1f: {  	s9 =	smul.u32 $0xF7A, s1;
	s8 =	simm.s32 @!p0 $0x1BF5;
	p2 =	por !p2, p0  }
0x20: {  	[sflag:s8] =	ssyncset.s32 @!p0 $0xFFFFF086;
	s6 =	sadd.s32 @!p0 s3, s7;
	s7 =	simm.s32 @!p0 $0x108  }
0x21: {  	s3 =	sadd.s32 s3, s9;
	s6 =	sadd.s32 @!p0 $0x88, s6;
	s7 =	simm.s32 @p2 $0x1082  }
0x22: {  	[simem:s7], [sflag:s8] =	dma.local @!p0 [hbm:s6], $0xF7A  }
0x23: {  	s9 =	sor.u32 $0xD0000000, s2;
	s6 =	simm.s32 $0x108;
	_ =	swait.ge @!p0 [sflag:s8], $0x0  }
0x24: {  	s3 =	sadd.s32 $0x88, s3;
	s6 =	simm.s32 @!p1 $0x1082;
	[sflag:s4] =	ssyncset.s32 $0xFFFFF086  }
0x25: {  	[simem:s6], [sflag:s4] =	dma.local [hbm:s3], $0xF7A  }
0x26: {  	[smem:$0x3F99] =	sst s1;
	(tag) =	ssettag s2;
	_ =	strace s9  }
0x27: {  	s1 =	sld [smem:$0x3FA9]  }
0x28: {  	s2 =	sld [smem:$0x3FAA]  }
0x29: {  	s4 =	sld [smem:$0x3FAC]  }
0x2a: {  	p0 =	seq.s32 s5, $0x0;
	s5 =	sld [smem:$0x3FAD]  }
0x2b: {  	s6 =	sld [smem:$0x3FAE]  }
0x2c: {  	s7 =	sld [smem:$0x3FAF]  }
0x2d: {  	s3 =	simm.s32 $0x108;
	s8 =	sld [smem:$0x3FB0]  }
0x2e: {  	s3 =	simm.s32 @!p0 $0x1082;
	s9 =	sld [smem:$0x3FB1]  }
0x2f: {  	lr =	sadd.s32 s0, s3;
	s0 =	sld [smem:$0x3FA8]  }
0x30: {  	s3 =	sld [smem:$0x3FAB]  }
0x31: {  	[smem:$0x3FB4] =	sst s10  }
0x32: {  	s10 =	sld [smem:$0x3FB2];
	_ =	sdelay $0x3  }
0x33: {  	p0 =	seq.s32 s10, $0x1;
	s10 =	sld [smem:$0x3FB4];
	_ =	sdelay $0x3  }
0x34: {  	[smem:$0x3FB4] =	sst s10  }
0x35: {  	s10 =	sld [smem:$0x3FB3];
	_ =	sdelay $0x3  }
0x36: {  	p1 =	seq.s32 s10, $0x1;
	s10 =	sld [smem:$0x3FB4];
	_ =	sdelay $0x3  }
0x37: {  	[smem:$0x3FB4] =	sst s10  }
0x38: {  	s10 =	sld [smem:$0x3FB5]  }
0x39: {  	_ = 	snop;
	(pc) =	sbr.ind lr, $3  }
0x3a: {  	_ = 	snop  }
0x3b: {  	_ = 	snop  }
0x3c: {  	p2 =	seq.s32 s10, $0x1;
	s10 =	sld [smem:$0x3FB4]  }
0x3d: {  	_ =	shalt  }
0x3e: {  	_ =	shalt  }
0x3f: {  	_ =	shalt  }
0x40: {  	_ =	shalt  }
0x41: {  	_ =	shalt  }
0x42: {  	_ =	shalt  }
0x43: {  	_ =	shalt  }
0x44: {  	_ =	shalt  }
0x45: {  	_ =	shalt  }
0x46: {  	_ =	shalt  }
0x47: {  	_ =	shalt  }
0x48: {  	_ =	shalt  }
0x49: {  	_ =	shalt  }
0x4a: {  	_ =	shalt  }
0x4b: {  	_ =	shalt  }
0x4c: {  	_ =	shalt  }
0x4d: {  	_ =	shalt  }
0x4e: {  	_ =	shalt  }
0x4f: {  	_ =	shalt  }
0x50: {  	_ =	shalt  }
0x51: {  	_ =	shalt  }
0x52: {  	_ =	shalt  }
0x53: {  	_ =	shalt  }
0x54: {  	_ =	shalt  }
0x55: {  	_ =	shalt  }
0x56: {  	_ =	shalt  }
0x57: {  	_ =	shalt  }
0x58: {  	_ =	shalt  }
0x59: {  	_ =	shalt  }
0x5a: {  	_ =	shalt  }
0x5b: {  	_ =	shalt  }
0x5c: {  	_ =	shalt  }
0x5d: {  	_ =	shalt  }
0x5e: {  	_ =	shalt  }
0x5f: {  	_ =	shalt  }
0x60: {  	_ =	shalt  }
0x61: {  	_ =	shalt  }
0x62: {  	_ =	shalt  }
0x63: {  	_ =	shalt  }
0x64: {  	_ =	shalt  }
0x65: {  	_ =	shalt  }
0x66: {  	_ =	shalt  }
0x67: {  	_ =	shalt  }
0x68: {  	_ =	shalt  }
0x69: {  	_ =	shalt  }
0x6a: {  	_ =	shalt  }
0x6b: {  	_ =	shalt  }
0x6c: {  	_ =	shalt  }
0x6d: {  	_ =	shalt  }
0x6e: {  	_ =	shalt  }
0x6f: {  	_ =	shalt  }
0x70: {  	_ =	shalt  }
0x71: {  	_ =	shalt  }
0x72: {  	_ =	shalt  }
0x73: {  	_ =	shalt  }
0x74: {  	_ =	shalt  }
0x75: {  	_ =	shalt  }
0x76: {  	_ =	shalt  }
0x77: {  	_ =	shalt  }
0x78: {  	_ =	shalt  }
0x79: {  	_ =	shalt  }
0x7a: {  	_ =	shalt  }
0x7b: {  	_ =	shalt  }
0x7c: {  	_ =	shalt  }
0x7d: {  	_ =	shalt  }
0x7e: {  	_ =	shalt  }
0x7f: {  	_ =	shalt  }
0x80: {  	_ =	shalt  }
0x81: {  	_ =	shalt  }
0x82: {  	_ =	shalt  }
0x83: {  	_ =	shalt  }
0x84: {  	_ =	shalt  }
0x85: {  	_ =	shalt  }
0x86: {  	_ =	shalt  }
0x87: {  	_ =	shalt  }
.Lfunc_end0:
.L_simem_size_0:
called_computation.1_lowered:
.L_overlay_start_0:
0x88: {  	s2 =	sld [smem:$0x3FD9]  }
0x89: {  	s3 =	sld [smem:$0x3FFE];
	_ =	sdelay $0x1  }
0x8a: {  	s1 =	srdreg.scid  }
0x8b: {  	s0 =	sand.u32 $0x1, s1  }
0x8c: {  	s17 =	sshll.u32 s0, $0xA;
	s2 =	sadd.s32 s3, s2  }
0x8d: {  	s2 =	sadd.s32 s2, s17  }
0x8e: {  	[smem:$0x3FC0] =	sst s2  }
0x8f: {  	_ = 	snop  }
0x90: {  	s18 =	sld [smem:$0x3FC6];
	(tm) =	ssettm $0x1  }
0x91: {  	s19 =	sld [smem:$0x3FFB];
	_ =	sdelay $0x3  }
0x92: {  	_ =	strace s19  }
0x93: {  	s2 =	sld [smem:$0x3FFC];
	_ =	sdelay $0x3  }
0x94: {  	_ =	strace s2  }
0x95: {  	s2 =	sld [smem:$0x3FFD];
	_ =	sdelay $0x3  }
0x96: {  	_ =	strace s2  }
0x97: {  	_ =	strace $0x8FFFFFFF  }
0x98: {  	s20 =	sld [smem:$0x3FDB];
	_ =	sdelay $0x1  }
0x99: {  	s4 =	simm.s32 $_scs_section_size  }
0x9a: {  	s5 =	simm.s32 $_size__tile_overlayer_lowered;
	s6 =	simm.s32 $_tile_overlayer_lowered  }
0x9b: {  	s7 =	simm.s32 $0x1BFF;
	s21 =	sshll.u32 s6, $0x1;
	s4 =	sadd.s32 s4, s20  }
0x9c: {  	s22 =	simm.s32 $0x0;
	s5 =	sshll.u32 s5, $0x1;
	s6 =	sadd.s32 s21, s4  }
0x9d: {  	[timem:s22], [sflag:s7] =	dma.local [hbm:s6], s5  }
0x9e: {  	_ =	swait.ge [sflag:s7], s5  }
0x9f: {  	s5 =	ssub.s32 $0x0, s5;
	[sflag:s7] =	ssyncset.done $0x0  }
0xa0: {  	[sflag:s7] =	ssyncadd.s32 s5;
	_ =	sdelay $0x1  }
0xa1: {  	s23 =	simm.s32 $0x1B8B  }
0xa2: {  	_ =	swait.ge [sflag:s23], $0x1  }
0xa3: {  	[sflag:s23] =	ssyncset.done $0x0  }
0xa4: {  	[sflag:s23] =	ssyncadd.s32 $0xFFFFFFFF  }
0xa5: {  	s5 =	sld [smem:$0x0]  }
0xa6: {  	s6 =	sand.u32 $0xFFFFFFFE, s1  }
0xa7: {  	p0 =	sne.s32 s1, s6  }
0xa8: {  	s6 =	sshll.u32 @p0 s6, $0xE  }
0xa9: {  	s6 =	sadd.s32 @p0 $0x11B8D, s6;
	s7 =	sshll.u32 @p0 s5, $0x11  }
0xaa: {  	s6 =	sor.u32 @p0 s7, s6  }
0xab: {  	[sflag:s6] =	ssyncadd.remote.s32 @p0 $0x1;
	_ =	sdelay $0x1  }
0xac: {  	s6 =	simm.s32 @p0 $0x1B8D  }
0xad: {  	_ =	swait.eq @p0 [sflag:s6], $0x1  }
0xae: {  	[sflag:s6] =	ssyncadd.s32 @p0 $0xFFFFFFFF  }
0xaf: {  	s7 =	sshll.u32 @!p0 s1, $0xE  }
0xb0: {  	s7 =	sor.u32 @!p0 $0x4000, s7;
	s6 =	simm.s32 @!p0 $0x1B8D  }
0xb1: {  	s5 =	sshll.u32 @!p0 s5, $0x11;
	s7 =	sadd.s32 @!p0 $0x11B8D, s7;
	_ =	swait.eq @!p0 [sflag:s6], $0x1  }
0xb2: {  	s5 =	sor.u32 @!p0 s5, s7;
	[sflag:s6] =	ssyncadd.s32 @!p0 $0xFFFFFFFF  }
0xb3: {  	s25 =	simm.s32 $0x1B8E;
	s24 =	sld [smem:$0x3FFE];
	[sflag:s5] =	ssyncadd.remote.s32 @!p0 $0x1  }
0xb4: {  	s26 =	simm.s32 $execute0_lowered;
	[smem:$0x3FD2] =	sst s25  }
0xb5: {  	s6 =	sshll.u32 s26, $0x1;
	_ =	strace $0x80000049;
	[dreg:$0x1] =	wrdreg $0xFFFFFFFF  }
0xb6: {  	s28 =	simm.s32 $_size_execute0_lowered;
	s4 =	sadd.s32 s4, s6;
	[dreg:$0x0] =	wrdreg $0x0  }
0xb7: {  	s6 =	sshll.u32 s28, $0x1;
	[dreg:$0x2] =	wrdreg s4  }
0xb8: {  	[dreg:$0x3] =	wrdreg s6  }
0xb9: {  	[dreg:$0x4] =	wrdreg $0xC0  }
0xba: {  	_ =	task [dreg:s22], $0x5FFFF  }
0xbb: {  	[dreg:$0x1] =	wrdreg $0xFFFFFFFF  }
0xbc: {  	[dreg:$0x0] =	wrdreg $0x60  }
0xbd: {  	[dreg:$0x2] =	wrdreg s24  }
0xbe: {  	[dreg:$0x3] =	wrdreg s18  }
0xbf: {  	[dreg:$0x4] =	wrdreg $0xA  }
0xc0: {  	_ =	task.clear_ibuf [dreg:s22], $0x5FFFF;
	_ =	strace $0x90000049  }
0xc1: {  	s29 =	simm.s32 $0xA;
	_ =	strace $0x8000004B  }
0xc2: {  	_ =	swait.ge [sflag:s29], $0x1  }
0xc3: {  	[sflag:s29] =	ssyncadd.s32 $0xFFFFFFFF  }
0xc4: {  	_ =	strace $0x9000004B  }
0xc5: {  	_ =	sfence  }
0xc6: {  	s30 =	sld [smem:$0x0];
	_ =	sdelay $0x2  }
0xc7: {  	s31 =	sshll.u32 s1, $0xD;
	s1 =	sshrl.u32 s1, $0x2  }
0xc8: {  	s4 =	sand.u32 $0x4000, s31;
	s1 =	sadd.s32 s1, s30  }
0xc9: {  	s0 =	sor.u32 s4, s0;
	s1 =	sshll.u32 s1, $0x11  }
0xca: {  	s0 =	sor.u32 s1, s0  }
0xcb: {  	s0 =	sadd.s32 $0x8F2B, s0  }
0xcc: {  	[sflag:s0] =	ssyncadd.remote.s32 $0x1  }
0xcd: {  	_ =	sfence.sel $0xFFFF  }
0xce: {  	[dreg:$0x0] =	wrdreg $0xFFFFFFFF;
	(pc) =	sbr.abs _section_cstart, $3  }
0xcf: {  	[dreg:$0x1] =	wrdreg $0xFFFFFFFF  }
0xd0: {  	_ =	task.clear_ibuf [dreg:s22], $0x2FFFF;
	_ =	strace $0x9FFFFFFF  }
0xd1: {  	(tm) =	ssettm $0x7FFFFFFF  }
tec
execute0_lowered:
.L_overlay_start_1:
0x0: {  	(tag) =	ssettag $0x1  }
0x1: {  	s0 =	srdreg.scid;
	s2 =	stileid.u32  }
0x2: {  	s1 =	rddreg [dreg:$0x0];
	s13 =	simm.s32 $0x2;
	s15 =	simm.s32 $0xA00  }
0x3: {  	s16 =	simm.s32 $0x1200;
	s17 =	simm.s32 $0x1A00;
	s18 =	simm.s32 $0x2200  }
0x4: {  	s19 =	simm.s32 $0x2A00;
	s20 =	simm.s32 $0x3200;
	s21 =	simm.s32 $0x3A00  }
0x5: {  	s28 =	simm.s32 $0x6200;
	s29 =	simm.s32 $0x6A00;
	s30 =	simm.s32 $0x7200  }
0x6: {  	s31 =	simm.s32 $0x7A00;
	s7 =	simm.s32 $0x9A00;
	s8 =	simm.s32 $0xA200  }
0x7: {  	s9 =	simm.s32 $0xAA00;
	s10 =	simm.s32 $0xB200;
	s0 =	sand.u32 $0x1, s0  }
0x8: {  	s11 =	simm.s32 $0xBA00;
	s3 =	sshll.u32 s2, $0xA;
	s4 =	sshll.u32 s0, $0x9  }
0x9: {  	s2 =	rddreg [dreg:$0x1];
	s0 =	ssub.s32 $0x2, s0;
	s4 =	sor.u32 s4, s3  }
0xa: {  	s3 =	simm.s32 $0x0;
	s26 =	sshrl.u32 s0, $0x1;
	s5 =	sshrl.u32 s4, $0x3  }
0xb: {  	[smem:$0x7FF] =	sst s3;
	s4 =	sshll.u32 s4, $0x5;
	s5 =	sadd.s32 s5, s1  }
0xc: {  	s0 =	ssub.s32 s0, s26;
	s1 =	sadd.s32 s4, s1;
	s22 =	sadd.s32 $0x6600, s5  }
0xd: {  	_ =	strace $0x8000004A;
	s23 =	sadd.s32 $0x6E00, s1;
	[dreg:$0x3] =	wrdreg s22  }
0xe: {  	s26 =	simm.s32 $0x5A00;
	s24 =	sadd.s32 $0x7E00, s1;
	[dreg:$0x4] =	wrdreg s23  }
0xf: {  	s4 =	smax.u32 s0, $0x1;
	s25 =	sadd.s32 $0x8E00, s1;
	[dreg:$0x5] =	wrdreg s24  }
0x10: {  	v2 =	vlaneseq.u32;
	s1 =	sadd.s32 $0x9E00, s1;
	s5 =	simm.s32 $0x3;
	[dreg:$0x6] =	wrdreg s25  }
0x11: {  	vm0 =	vmmov $0xffff;
	v1 =	vshrl.u32 v2, $0x3;
	[dreg:$0x7] =	wrdreg s1;
	s1 =	simm.s32 $0x1;
	s23 =	simm.s32 $0x4200  }
0x12: {  	v0 =	vand.u32 $0x7, v2;
	v2 =	vor.u32 $0x8, v2;
	v1 =	vmul.u32 $0x8, v1;
	s24 =	simm.s32 $0x4A00;
	s25 =	simm.s32 $0x5200;
	s22 =	simm.s32 $0x9200  }
.LBB2_1:
0x13: {  	s14 =	rddreg [dreg:$0x3]  }
0x14: {  	[tilespmem:s3], [sflag:$0x3] =	stream.linear.gather [hbm4b:s14+s3], $0x200, $0x38;
	[tilespmem:$0x10200] =	vst v63  }
0x15: {  	_ =	swait.ge [sflag:s5], $0x200  }
0x16: {  	[sflag:s5] =	ssyncset.done $0x0  }
0x17: {  	[sflag:s5] =	ssyncadd.s32 $0xFFFFFE00  }
0x18: {  	v3 =	vld [tilespmem:$0x0];
	_ =	sdelay $0x4  }
0x19: {  	v4 =	vshll.u32 v3, $0x1  }
0x1a: {  	v3 =	vand.u32 $0x7, v3;
	v4 =	vand.u32 $0xFFFFFFF0, v4  }
0x1b: {  	v3 =	vor.u32 v3, v4  }
0x1c: {  	v4 =	vperm.xlane v3, v0;
	_ =	sdelay $0x1  }
0x1d: {  	v3 =	vperm.xlane v3, v2;
	v4 =	vadd.s32 v1, v4;
	_ =	sdelay $0x1  }
0x1e: {  	v3 =	vadd.s32 v1, v3;
	_ =	sdelay $0x1  }
0x1f: {  	s0 =	simm.s32 $0x200  }
0x20: {  	[tilespmem:s0], [sflag:$0x1] =	stream.indirect_vreg.gather [hbm4b:s2+s3], $0x80, v4, vm0, $0xb8;
	[tilespmem:$0x10200] =	vst v63  }
0x21: {  	_ = 	snop  }
0x22: {  	[tilespmem:s15], [sflag:$0x1] =	stream.indirect_vreg.gather [hbm4b:s2+s3], $0x80, v3, vm0, $0xb8;
	[tilespmem:$0x10200] =	vst v63  }
0x23: {  	v3 =	vld [tilespmem:$0x10];
	_ =	sdelay $0x4  }
0x24: {  	v33 =	vshll.u32 v3, $0x1  }
0x25: {  	v3 =	vand.u32 $0x7, v3;
	v4 =	vand.u32 $0xFFFFFFF0, v33  }
0x26: {  	v3 =	vor.u32 v3, v4  }
0x27: {  	v4 =	vperm.xlane v3, v0;
	_ =	sdelay $0x1  }
0x28: {  	v3 =	vperm.xlane v3, v2;
	v4 =	vadd.s32 v1, v4;
	_ =	sdelay $0x1  }
0x29: {  	v3 =	vadd.s32 v1, v3;
	_ =	sdelay $0x2  }
0x2a: {  	[tilespmem:s16], [sflag:$0x1] =	stream.indirect_vreg.gather [hbm4b:s2+s3], $0x80, v4, vm0, $0xb8;
	[tilespmem:$0x10200] =	vst v63  }
0x2b: {  	_ = 	snop  }
0x2c: {  	[tilespmem:s17], [sflag:$0x1] =	stream.indirect_vreg.gather [hbm4b:s2+s3], $0x80, v3, vm0, $0xb8;
	[tilespmem:$0x10200] =	vst v63  }
0x2d: {  	v3 =	vld [tilespmem:$0x20];
	_ =	sdelay $0x4  }
0x2e: {  	v34 =	vshll.u32 v3, $0x1  }
0x2f: {  	v3 =	vand.u32 $0x7, v3;
	v4 =	vand.u32 $0xFFFFFFF0, v34  }
0x30: {  	v3 =	vor.u32 v3, v4  }
0x31: {  	v4 =	vperm.xlane v3, v0;
	_ =	sdelay $0x1  }
0x32: {  	v3 =	vperm.xlane v3, v2;
	v4 =	vadd.s32 v1, v4;
	_ =	sdelay $0x1  }
0x33: {  	v3 =	vadd.s32 v1, v3;
	_ =	sdelay $0x2  }
0x34: {  	[tilespmem:s18], [sflag:$0x1] =	stream.indirect_vreg.gather [hbm4b:s2+s3], $0x80, v4, vm0, $0xb8;
	[tilespmem:$0x10200] =	vst v63  }
0x35: {  	_ = 	snop  }
0x36: {  	[tilespmem:s19], [sflag:$0x1] =	stream.indirect_vreg.gather [hbm4b:s2+s3], $0x80, v3, vm0, $0xb8;
	[tilespmem:$0x10200] =	vst v63  }
0x37: {  	v3 =	vld [tilespmem:$0x30];
	_ =	sdelay $0x4  }
0x38: {  	v35 =	vshll.u32 v3, $0x1  }
0x39: {  	v3 =	vand.u32 $0x7, v3;
	v4 =	vand.u32 $0xFFFFFFF0, v35  }
0x3a: {  	v3 =	vor.u32 v3, v4  }
0x3b: {  	v4 =	vperm.xlane v3, v0;
	_ =	sdelay $0x1  }
0x3c: {  	v3 =	vperm.xlane v3, v2;
	v4 =	vadd.s32 v1, v4;
	_ =	sdelay $0x1  }
0x3d: {  	v3 =	vadd.s32 v1, v3;
	_ =	sdelay $0x2  }
0x3e: {  	[tilespmem:s20], [sflag:$0x1] =	stream.indirect_vreg.gather [hbm4b:s2+s3], $0x80, v4, vm0, $0xb8;
	[tilespmem:$0x10200] =	vst v63  }
0x3f: {  	_ = 	snop  }
0x40: {  	[tilespmem:s21], [sflag:$0x1] =	stream.indirect_vreg.gather [hbm4b:s2+s3], $0x80, v3, vm0, $0xb8;
	[tilespmem:$0x10200] =	vst v63  }
0x41: {  	v3 =	vld [tilespmem:$0x40];
	_ =	sdelay $0x4  }
0x42: {  	v36 =	vshll.u32 v3, $0x1  }
0x43: {  	v3 =	vand.u32 $0x7, v3;
	v4 =	vand.u32 $0xFFFFFFF0, v36  }
0x44: {  	v3 =	vor.u32 v3, v4  }
0x45: {  	v4 =	vperm.xlane v3, v0;
	_ =	sdelay $0x1  }
0x46: {  	v3 =	vperm.xlane v3, v2;
	v4 =	vadd.s32 v1, v4;
	_ =	sdelay $0x1  }
0x47: {  	v3 =	vadd.s32 v1, v3;
	_ =	sdelay $0x2  }
0x48: {  	[tilespmem:s23], [sflag:$0x1] =	stream.indirect_vreg.gather [hbm4b:s2+s3], $0x80, v4, vm0, $0xb8;
	[tilespmem:$0x10200] =	vst v63  }
0x49: {  	_ = 	snop  }
0x4a: {  	[tilespmem:s24], [sflag:$0x1] =	stream.indirect_vreg.gather [hbm4b:s2+s3], $0x80, v3, vm0, $0xb8;
	[tilespmem:$0x10200] =	vst v63  }
0x4b: {  	v3 =	vld [tilespmem:$0x50];
	_ =	sdelay $0x4  }
0x4c: {  	v37 =	vshll.u32 v3, $0x1  }
0x4d: {  	v3 =	vand.u32 $0x7, v3;
	v4 =	vand.u32 $0xFFFFFFF0, v37  }
0x4e: {  	v3 =	vor.u32 v3, v4  }
0x4f: {  	v4 =	vperm.xlane v3, v0;
	_ =	sdelay $0x1  }
0x50: {  	v3 =	vperm.xlane v3, v2;
	v4 =	vadd.s32 v1, v4;
	_ =	sdelay $0x1  }
0x51: {  	v3 =	vadd.s32 v1, v3;
	_ =	sdelay $0x2  }
0x52: {  	[tilespmem:s25], [sflag:$0x1] =	stream.indirect_vreg.gather [hbm4b:s2+s3], $0x80, v4, vm0, $0xb8;
	[tilespmem:$0x10200] =	vst v63  }
0x53: {  	_ = 	snop  }
0x54: {  	[tilespmem:s26], [sflag:$0x1] =	stream.indirect_vreg.gather [hbm4b:s2+s3], $0x80, v3, vm0, $0xb8;
	[tilespmem:$0x10200] =	vst v63  }
0x55: {  	v3 =	vld [tilespmem:$0x60];
	_ =	sdelay $0x4  }
0x56: {  	v38 =	vshll.u32 v3, $0x1  }
0x57: {  	v3 =	vand.u32 $0x7, v3;
	v4 =	vand.u32 $0xFFFFFFF0, v38  }
0x58: {  	v3 =	vor.u32 v3, v4  }
0x59: {  	v4 =	vperm.xlane v3, v0;
	_ =	sdelay $0x1  }
0x5a: {  	v3 =	vperm.xlane v3, v2;
	v4 =	vadd.s32 v1, v4;
	_ =	sdelay $0x1  }
0x5b: {  	v3 =	vadd.s32 v1, v3;
	_ =	sdelay $0x2  }
0x5c: {  	[tilespmem:s28], [sflag:$0x1] =	stream.indirect_vreg.gather [hbm4b:s2+s3], $0x80, v4, vm0, $0xb8;
	[tilespmem:$0x10200] =	vst v63  }
0x5d: {  	_ = 	snop  }
0x5e: {  	[tilespmem:s29], [sflag:$0x1] =	stream.indirect_vreg.gather [hbm4b:s2+s3], $0x80, v3, vm0, $0xb8;
	[tilespmem:$0x10200] =	vst v63  }
0x5f: {  	v3 =	vld [tilespmem:$0x70];
	_ =	sdelay $0x4  }
0x60: {  	v39 =	vshll.u32 v3, $0x1  }
0x61: {  	v3 =	vand.u32 $0x7, v3;
	v4 =	vand.u32 $0xFFFFFFF0, v39  }
0x62: {  	v3 =	vor.u32 v3, v4  }
0x63: {  	v4 =	vperm.xlane v3, v0;
	_ =	sdelay $0x1  }
0x64: {  	v3 =	vperm.xlane v3, v2;
	v4 =	vadd.s32 v1, v4;
	_ =	sdelay $0x1  }
0x65: {  	v3 =	vadd.s32 v1, v3;
	_ =	sdelay $0x2  }
0x66: {  	[tilespmem:s30], [sflag:$0x1] =	stream.indirect_vreg.gather [hbm4b:s2+s3], $0x80, v4, vm0, $0xb8;
	[tilespmem:$0x10200] =	vst v63  }
0x67: {  	_ = 	snop  }
0x68: {  	[tilespmem:s31], [sflag:$0x1] =	stream.indirect_vreg.gather [hbm4b:s2+s3], $0x80, v3, vm0, $0xb8;
	[tilespmem:$0x10200] =	vst v63  }
0x69: {  	v3 =	vld [tilespmem:$0x80];
	_ =	sdelay $0x4  }
0x6a: {  	v40 =	vshll.u32 v3, $0x1  }
0x6b: {  	v3 =	vand.u32 $0x7, v3;
	v4 =	vand.u32 $0xFFFFFFF0, v40  }
0x6c: {  	v3 =	vor.u32 v3, v4  }
0x6d: {  	v4 =	vperm.xlane v3, v0;
	_ =	sdelay $0x1  }
0x6e: {  	v3 =	vperm.xlane v3, v2;
	v4 =	vadd.s32 v1, v4;
	_ =	sdelay $0x1  }
0x6f: {  	v3 =	vadd.s32 v1, v3;
	_ =	sdelay $0x1  }
0x70: {  	s0 =	simm.s32 $0x8200  }
0x71: {  	[tilespmem:s0], [sflag:$0x2] =	stream.indirect_vreg.gather [hbm4b:s2+s3], $0x80, v4, vm0, $0xb8;
	[tilespmem:$0x10200] =	vst v63  }
0x72: {  	s6 =	simm.s32 $0x8A00  }
0x73: {  	[tilespmem:s6], [sflag:$0x2] =	stream.indirect_vreg.gather [hbm4b:s2+s3], $0x80, v3, vm0, $0xb8;
	[tilespmem:$0x10200] =	vst v63  }
0x74: {  	v3 =	vld [tilespmem:$0x90];
	_ =	sdelay $0x4  }
0x75: {  	v41 =	vshll.u32 v3, $0x1  }
0x76: {  	v3 =	vand.u32 $0x7, v3;
	v4 =	vand.u32 $0xFFFFFFF0, v41  }
0x77: {  	v3 =	vor.u32 v3, v4  }
0x78: {  	v4 =	vperm.xlane v3, v0;
	_ =	sdelay $0x1  }
0x79: {  	v3 =	vperm.xlane v3, v2;
	v4 =	vadd.s32 v1, v4;
	_ =	sdelay $0x1  }
0x7a: {  	v3 =	vadd.s32 v1, v3;
	_ =	sdelay $0x2  }
0x7b: {  	[tilespmem:s22], [sflag:$0x2] =	stream.indirect_vreg.gather [hbm4b:s2+s3], $0x80, v4, vm0, $0xb8;
	[tilespmem:$0x10200] =	vst v63  }
0x7c: {  	_ = 	snop  }
0x7d: {  	[tilespmem:s7], [sflag:$0x2] =	stream.indirect_vreg.gather [hbm4b:s2+s3], $0x80, v3, vm0, $0xb8;
	[tilespmem:$0x10200] =	vst v63  }
0x7e: {  	v3 =	vld [tilespmem:$0xA0];
	_ =	sdelay $0x4  }
0x7f: {  	v42 =	vshll.u32 v3, $0x1  }
0x80: {  	v3 =	vand.u32 $0x7, v3;
	v4 =	vand.u32 $0xFFFFFFF0, v42  }
0x81: {  	v3 =	vor.u32 v3, v4  }
0x82: {  	v4 =	vperm.xlane v3, v0;
	_ =	sdelay $0x1  }
0x83: {  	v3 =	vperm.xlane v3, v2;
	v4 =	vadd.s32 v1, v4;
	_ =	sdelay $0x1  }
0x84: {  	v3 =	vadd.s32 v1, v3;
	_ =	sdelay $0x2  }
0x85: {  	[tilespmem:s8], [sflag:$0x2] =	stream.indirect_vreg.gather [hbm4b:s2+s3], $0x80, v4, vm0, $0xb8;
	[tilespmem:$0x10200] =	vst v63  }
0x86: {  	_ = 	snop  }
0x87: {  	[tilespmem:s9], [sflag:$0x2] =	stream.indirect_vreg.gather [hbm4b:s2+s3], $0x80, v3, vm0, $0xb8;
	[tilespmem:$0x10200] =	vst v63  }
0x88: {  	v3 =	vld [tilespmem:$0xB0];
	_ =	sdelay $0x4  }
0x89: {  	v43 =	vshll.u32 v3, $0x1  }
0x8a: {  	v3 =	vand.u32 $0x7, v3;
	v4 =	vand.u32 $0xFFFFFFF0, v43  }
0x8b: {  	v3 =	vor.u32 v3, v4  }
0x8c: {  	v4 =	vperm.xlane v3, v0;
	_ =	sdelay $0x1  }
0x8d: {  	v3 =	vperm.xlane v3, v2;
	v4 =	vadd.s32 v1, v4;
	_ =	sdelay $0x1  }
0x8e: {  	v3 =	vadd.s32 v1, v3;
	_ =	sdelay $0x2  }
0x8f: {  	[tilespmem:s10], [sflag:$0x2] =	stream.indirect_vreg.gather [hbm4b:s2+s3], $0x80, v4, vm0, $0xb8;
	[tilespmem:$0x10200] =	vst v63  }
0x90: {  	_ = 	snop  }
0x91: {  	[tilespmem:s11], [sflag:$0x2] =	stream.indirect_vreg.gather [hbm4b:s2+s3], $0x80, v3, vm0, $0xb8;
	[tilespmem:$0x10200] =	vst v63  }
0x92: {  	v3 =	vld [tilespmem:$0xC0];
	_ =	sdelay $0x4  }
0x93: {  	v44 =	vshll.u32 v3, $0x1  }
0x94: {  	v3 =	vand.u32 $0x7, v3;
	v4 =	vand.u32 $0xFFFFFFF0, v44  }
0x95: {  	v3 =	vor.u32 v3, v4  }
0x96: {  	v4 =	vperm.xlane v3, v0;
	_ =	sdelay $0x1  }
0x97: {  	v3 =	vperm.xlane v3, v2;
	v4 =	vadd.s32 v1, v4;
	_ =	sdelay $0x1  }
0x98: {  	v3 =	vadd.s32 v1, v3;
	_ =	sdelay $0x1  }
0x99: {  	s6 =	simm.s32 $0xC200  }
0x9a: {  	[tilespmem:s6], [sflag:$0x2] =	stream.indirect_vreg.gather [hbm4b:s2+s3], $0x80, v4, vm0, $0xb8;
	[tilespmem:$0x10200] =	vst v63  }
0x9b: {  	s12 =	simm.s32 $0xCA00  }
0x9c: {  	[tilespmem:s12], [sflag:$0x2] =	stream.indirect_vreg.gather [hbm4b:s2+s3], $0x80, v3, vm0, $0xb8;
	[tilespmem:$0x10200] =	vst v63  }
0x9d: {  	v3 =	vld [tilespmem:$0xD0];
	_ =	sdelay $0x4  }
0x9e: {  	v45 =	vshll.u32 v3, $0x1  }
0x9f: {  	v3 =	vand.u32 $0x7, v3;
	v4 =	vand.u32 $0xFFFFFFF0, v45  }
0xa0: {  	v3 =	vor.u32 v3, v4  }
0xa1: {  	v4 =	vperm.xlane v3, v0;
	_ =	sdelay $0x1  }
0xa2: {  	v3 =	vperm.xlane v3, v2;
	v4 =	vadd.s32 v1, v4;
	_ =	sdelay $0x1  }
0xa3: {  	v3 =	vadd.s32 v1, v3;
	_ =	sdelay $0x1  }
0xa4: {  	s14 =	simm.s32 $0xD200  }
0xa5: {  	[tilespmem:s14], [sflag:$0x2] =	stream.indirect_vreg.gather [hbm4b:s2+s3], $0x80, v4, vm0, $0xb8;
	[tilespmem:$0x10200] =	vst v63  }
0xa6: {  	s14 =	simm.s32 $0xDA00  }
0xa7: {  	[tilespmem:s14], [sflag:$0x2] =	stream.indirect_vreg.gather [hbm4b:s2+s3], $0x80, v3, vm0, $0xb8;
	[tilespmem:$0x10200] =	vst v63  }
0xa8: {  	v3 =	vld [tilespmem:$0xE0];
	_ =	sdelay $0x4  }
0xa9: {  	v46 =	vshll.u32 v3, $0x1  }
0xaa: {  	v3 =	vand.u32 $0x7, v3;
	v4 =	vand.u32 $0xFFFFFFF0, v46  }
0xab: {  	v3 =	vor.u32 v3, v4  }
0xac: {  	v4 =	vperm.xlane v3, v0;
	_ =	sdelay $0x1  }
0xad: {  	v3 =	vperm.xlane v3, v2;
	v4 =	vadd.s32 v1, v4;
	_ =	sdelay $0x1  }
0xae: {  	v3 =	vadd.s32 v1, v3;
	_ =	sdelay $0x1  }
0xaf: {  	s14 =	simm.s32 $0xE200  }
0xb0: {  	[tilespmem:s14], [sflag:$0x2] =	stream.indirect_vreg.gather [hbm4b:s2+s3], $0x80, v4, vm0, $0xb8;
	[tilespmem:$0x10200] =	vst v63  }
0xb1: {  	s14 =	simm.s32 $0xEA00  }
0xb2: {  	[tilespmem:s14], [sflag:$0x2] =	stream.indirect_vreg.gather [hbm4b:s2+s3], $0x80, v3, vm0, $0xb8;
	[tilespmem:$0x10200] =	vst v63  }
0xb3: {  	v3 =	vld [tilespmem:$0xF0];
	_ =	sdelay $0x4  }
0xb4: {  	v47 =	vshll.u32 v3, $0x1  }
0xb5: {  	v3 =	vand.u32 $0x7, v3;
	v4 =	vand.u32 $0xFFFFFFF0, v47  }
0xb6: {  	v3 =	vor.u32 v3, v4  }
0xb7: {  	v4 =	vperm.xlane v3, v0;
	_ =	sdelay $0x1  }
0xb8: {  	v3 =	vperm.xlane v3, v2;
	v4 =	vadd.s32 v1, v4;
	_ =	sdelay $0x1  }
0xb9: {  	v3 =	vadd.s32 v1, v3;
	_ =	sdelay $0x1  }
0xba: {  	s14 =	simm.s32 $0xF200  }
0xbb: {  	[tilespmem:s14], [sflag:$0x2] =	stream.indirect_vreg.gather [hbm4b:s2+s3], $0x80, v4, vm0, $0xb8;
	[tilespmem:$0x10200] =	vst v63  }
0xbc: {  	s14 =	simm.s32 $0xFA00  }
0xbd: {  	[tilespmem:s14], [sflag:$0x2] =	stream.indirect_vreg.gather [hbm4b:s2+s3], $0x80, v3, vm0, $0xb8;
	[tilespmem:$0x10200] =	vst v63  }
0xbe: {  	_ =	swait.ge [sflag:s1], $0x8000  }
0xbf: {  	[sflag:s1] =	ssyncset.done $0x0  }
0xc0: {  	s12 =	simm.s32 $0x200;
	s14 =	rddreg [dreg:$0x4];
	[sflag:s1] =	ssyncadd.s32 $0xFFFF8000  }
0xc1: {  	[hbm4b:s14+s3] =	stream.linear.scatter [tilespmem:s12], [sflag:$0x3], $0x8000, $0x38;
	[tilespmem:$0x10200] =	vst v63  }
0xc2: {  	_ =	swait.ge [sflag:s5], $0x8000  }
0xc3: {  	[sflag:s5] =	ssyncset.done $0x0  }
0xc4: {  	[sflag:s5] =	ssyncadd.s32 $0xFFFF8000  }
0xc5: {  	v3 =	vld [tilespmem:$0x100];
	_ =	sdelay $0x4  }
0xc6: {  	v48 =	vshll.u32 v3, $0x1  }
0xc7: {  	v3 =	vand.u32 $0x7, v3;
	v4 =	vand.u32 $0xFFFFFFF0, v48  }
0xc8: {  	v3 =	vor.u32 v3, v4  }
0xc9: {  	v4 =	vperm.xlane v3, v0;
	_ =	sdelay $0x1  }
0xca: {  	v3 =	vperm.xlane v3, v2;
	v4 =	vadd.s32 v1, v4;
	_ =	sdelay $0x1  }
0xcb: {  	v3 =	vadd.s32 v1, v3;
	_ =	sdelay $0x2  }
0xcc: {  	[tilespmem:s12], [sflag:$0x1] =	stream.indirect_vreg.gather [hbm4b:s2+s3], $0x80, v4, vm0, $0xb8;
	[tilespmem:$0x10200] =	vst v63  }
0xcd: {  	_ = 	snop  }
0xce: {  	[tilespmem:s15], [sflag:$0x1] =	stream.indirect_vreg.gather [hbm4b:s2+s3], $0x80, v3, vm0, $0xb8;
	[tilespmem:$0x10200] =	vst v63  }
0xcf: {  	v3 =	vld [tilespmem:$0x110];
	_ =	sdelay $0x4  }
0xd0: {  	v49 =	vshll.u32 v3, $0x1  }
0xd1: {  	v3 =	vand.u32 $0x7, v3;
	v4 =	vand.u32 $0xFFFFFFF0, v49  }
0xd2: {  	v3 =	vor.u32 v3, v4  }
0xd3: {  	v4 =	vperm.xlane v3, v0;
	_ =	sdelay $0x1  }
0xd4: {  	v3 =	vperm.xlane v3, v2;
	v4 =	vadd.s32 v1, v4;
	_ =	sdelay $0x1  }
0xd5: {  	v3 =	vadd.s32 v1, v3;
	_ =	sdelay $0x2  }
0xd6: {  	[tilespmem:s16], [sflag:$0x1] =	stream.indirect_vreg.gather [hbm4b:s2+s3], $0x80, v4, vm0, $0xb8;
	[tilespmem:$0x10200] =	vst v63  }
0xd7: {  	_ = 	snop  }
0xd8: {  	[tilespmem:s17], [sflag:$0x1] =	stream.indirect_vreg.gather [hbm4b:s2+s3], $0x80, v3, vm0, $0xb8;
	[tilespmem:$0x10200] =	vst v63  }
0xd9: {  	v3 =	vld [tilespmem:$0x120];
	_ =	sdelay $0x4  }
0xda: {  	v50 =	vshll.u32 v3, $0x1  }
0xdb: {  	v3 =	vand.u32 $0x7, v3;
	v4 =	vand.u32 $0xFFFFFFF0, v50  }
0xdc: {  	v3 =	vor.u32 v3, v4  }
0xdd: {  	v4 =	vperm.xlane v3, v0;
	_ =	sdelay $0x1  }
0xde: {  	v3 =	vperm.xlane v3, v2;
	v4 =	vadd.s32 v1, v4;
	_ =	sdelay $0x1  }
0xdf: {  	v3 =	vadd.s32 v1, v3;
	_ =	sdelay $0x2  }
0xe0: {  	[tilespmem:s18], [sflag:$0x1] =	stream.indirect_vreg.gather [hbm4b:s2+s3], $0x80, v4, vm0, $0xb8;
	[tilespmem:$0x10200] =	vst v63  }
0xe1: {  	_ = 	snop  }
0xe2: {  	[tilespmem:s19], [sflag:$0x1] =	stream.indirect_vreg.gather [hbm4b:s2+s3], $0x80, v3, vm0, $0xb8;
	[tilespmem:$0x10200] =	vst v63  }
0xe3: {  	v3 =	vld [tilespmem:$0x130];
	_ =	sdelay $0x4  }
0xe4: {  	v51 =	vshll.u32 v3, $0x1  }
0xe5: {  	v3 =	vand.u32 $0x7, v3;
	v4 =	vand.u32 $0xFFFFFFF0, v51  }
0xe6: {  	v3 =	vor.u32 v3, v4  }
0xe7: {  	v4 =	vperm.xlane v3, v0;
	_ =	sdelay $0x1  }
0xe8: {  	v3 =	vperm.xlane v3, v2;
	v4 =	vadd.s32 v1, v4;
	_ =	sdelay $0x1  }
0xe9: {  	v3 =	vadd.s32 v1, v3;
	_ =	sdelay $0x2  }
0xea: {  	[tilespmem:s20], [sflag:$0x1] =	stream.indirect_vreg.gather [hbm4b:s2+s3], $0x80, v4, vm0, $0xb8;
	[tilespmem:$0x10200] =	vst v63  }
0xeb: {  	_ = 	snop  }
0xec: {  	[tilespmem:s21], [sflag:$0x1] =	stream.indirect_vreg.gather [hbm4b:s2+s3], $0x80, v3, vm0, $0xb8;
	[tilespmem:$0x10200] =	vst v63  }
0xed: {  	v3 =	vld [tilespmem:$0x140];
	_ =	sdelay $0x4  }
0xee: {  	v52 =	vshll.u32 v3, $0x1  }
0xef: {  	v3 =	vand.u32 $0x7, v3;
	v4 =	vand.u32 $0xFFFFFFF0, v52  }
0xf0: {  	v3 =	vor.u32 v3, v4  }
0xf1: {  	v4 =	vperm.xlane v3, v0;
	_ =	sdelay $0x1  }
0xf2: {  	v3 =	vperm.xlane v3, v2;
	v4 =	vadd.s32 v1, v4;
	_ =	sdelay $0x1  }
0xf3: {  	v3 =	vadd.s32 v1, v3;
	_ =	sdelay $0x2  }
0xf4: {  	[tilespmem:s23], [sflag:$0x1] =	stream.indirect_vreg.gather [hbm4b:s2+s3], $0x80, v4, vm0, $0xb8;
	[tilespmem:$0x10200] =	vst v63  }
0xf5: {  	_ = 	snop  }
0xf6: {  	[tilespmem:s24], [sflag:$0x1] =	stream.indirect_vreg.gather [hbm4b:s2+s3], $0x80, v3, vm0, $0xb8;
	[tilespmem:$0x10200] =	vst v63  }
0xf7: {  	v3 =	vld [tilespmem:$0x150];
	_ =	sdelay $0x4  }
0xf8: {  	v53 =	vshll.u32 v3, $0x1  }
0xf9: {  	v3 =	vand.u32 $0x7, v3;
	v4 =	vand.u32 $0xFFFFFFF0, v53  }
0xfa: {  	v3 =	vor.u32 v3, v4  }
0xfb: {  	v4 =	vperm.xlane v3, v0;
	_ =	sdelay $0x1  }
0xfc: {  	v3 =	vperm.xlane v3, v2;
	v4 =	vadd.s32 v1, v4;
	_ =	sdelay $0x1  }
0xfd: {  	v3 =	vadd.s32 v1, v3;
	_ =	sdelay $0x2  }
0xfe: {  	[tilespmem:s25], [sflag:$0x1] =	stream.indirect_vreg.gather [hbm4b:s2+s3], $0x80, v4, vm0, $0xb8;
	[tilespmem:$0x10200] =	vst v63  }
0xff: {  	_ = 	snop  }
0x100: {  	[tilespmem:s26], [sflag:$0x1] =	stream.indirect_vreg.gather [hbm4b:s2+s3], $0x80, v3, vm0, $0xb8;
	[tilespmem:$0x10200] =	vst v63  }
0x101: {  	v3 =	vld [tilespmem:$0x160];
	_ =	sdelay $0x4  }
0x102: {  	v54 =	vshll.u32 v3, $0x1  }
0x103: {  	v3 =	vand.u32 $0x7, v3;
	v4 =	vand.u32 $0xFFFFFFF0, v54  }
0x104: {  	v3 =	vor.u32 v3, v4  }
0x105: {  	v4 =	vperm.xlane v3, v0;
	_ =	sdelay $0x1  }
0x106: {  	v3 =	vperm.xlane v3, v2;
	v4 =	vadd.s32 v1, v4;
	_ =	sdelay $0x1  }
0x107: {  	v3 =	vadd.s32 v1, v3;
	_ =	sdelay $0x2  }
0x108: {  	[tilespmem:s28], [sflag:$0x1] =	stream.indirect_vreg.gather [hbm4b:s2+s3], $0x80, v4, vm0, $0xb8;
	[tilespmem:$0x10200] =	vst v63  }
0x109: {  	_ = 	snop  }
0x10a: {  	[tilespmem:s29], [sflag:$0x1] =	stream.indirect_vreg.gather [hbm4b:s2+s3], $0x80, v3, vm0, $0xb8;
	[tilespmem:$0x10200] =	vst v63  }
0x10b: {  	v3 =	vld [tilespmem:$0x170];
	_ =	sdelay $0x4  }
0x10c: {  	v55 =	vshll.u32 v3, $0x1  }
0x10d: {  	v3 =	vand.u32 $0x7, v3;
	v4 =	vand.u32 $0xFFFFFFF0, v55  }
0x10e: {  	v3 =	vor.u32 v3, v4  }
0x10f: {  	v4 =	vperm.xlane v3, v0;
	_ =	sdelay $0x1  }
0x110: {  	v3 =	vperm.xlane v3, v2;
	v4 =	vadd.s32 v1, v4;
	_ =	sdelay $0x1  }
0x111: {  	v3 =	vadd.s32 v1, v3;
	_ =	sdelay $0x2  }
0x112: {  	[tilespmem:s30], [sflag:$0x1] =	stream.indirect_vreg.gather [hbm4b:s2+s3], $0x80, v4, vm0, $0xb8;
	[tilespmem:$0x10200] =	vst v63  }
0x113: {  	_ = 	snop  }
0x114: {  	[tilespmem:s31], [sflag:$0x1] =	stream.indirect_vreg.gather [hbm4b:s2+s3], $0x80, v3, vm0, $0xb8;
	[tilespmem:$0x10200] =	vst v63  }
0x115: {  	_ =	swait.ge [sflag:s13], $0x8000  }
0x116: {  	[sflag:s13] =	ssyncset.done $0x0  }
0x117: {  	s12 =	rddreg [dreg:$0x5];
	[sflag:s13] =	ssyncadd.s32 $0xFFFF8000  }
0x118: {  	[hbm4b:s12+s3] =	stream.linear.scatter [tilespmem:s0], [sflag:$0x3], $0x8000, $0x38;
	[tilespmem:$0x10200] =	vst v63  }
0x119: {  	_ =	swait.ge [sflag:s5], $0x8000  }
0x11a: {  	[sflag:s5] =	ssyncset.done $0x0  }
0x11b: {  	[sflag:s5] =	ssyncadd.s32 $0xFFFF8000  }
0x11c: {  	v3 =	vld [tilespmem:$0x180];
	_ =	sdelay $0x4  }
0x11d: {  	v56 =	vshll.u32 v3, $0x1  }
0x11e: {  	v3 =	vand.u32 $0x7, v3;
	v4 =	vand.u32 $0xFFFFFFF0, v56  }
0x11f: {  	v3 =	vor.u32 v3, v4  }
0x120: {  	v4 =	vperm.xlane v3, v0;
	_ =	sdelay $0x1  }
0x121: {  	v3 =	vperm.xlane v3, v2;
	v4 =	vadd.s32 v1, v4;
	_ =	sdelay $0x1  }
0x122: {  	v3 =	vadd.s32 v1, v3;
	_ =	sdelay $0x2  }
0x123: {  	[tilespmem:s0], [sflag:$0x2] =	stream.indirect_vreg.gather [hbm4b:s2+s3], $0x80, v4, vm0, $0xb8;
	[tilespmem:$0x10200] =	vst v63  }
0x124: {  	s14 =	simm.s32 $0x8A00  }
0x125: {  	[tilespmem:s14], [sflag:$0x2] =	stream.indirect_vreg.gather [hbm4b:s2+s3], $0x80, v3, vm0, $0xb8;
	[tilespmem:$0x10200] =	vst v63  }
0x126: {  	v3 =	vld [tilespmem:$0x190];
	_ =	sdelay $0x4  }
0x127: {  	v57 =	vshll.u32 v3, $0x1  }
0x128: {  	v3 =	vand.u32 $0x7, v3;
	v4 =	vand.u32 $0xFFFFFFF0, v57  }
0x129: {  	v3 =	vor.u32 v3, v4  }
0x12a: {  	v4 =	vperm.xlane v3, v0;
	_ =	sdelay $0x1  }
0x12b: {  	v3 =	vperm.xlane v3, v2;
	v4 =	vadd.s32 v1, v4;
	_ =	sdelay $0x1  }
0x12c: {  	v3 =	vadd.s32 v1, v3;
	_ =	sdelay $0x2  }
0x12d: {  	[tilespmem:s22], [sflag:$0x2] =	stream.indirect_vreg.gather [hbm4b:s2+s3], $0x80, v4, vm0, $0xb8;
	[tilespmem:$0x10200] =	vst v63  }
0x12e: {  	_ = 	snop  }
0x12f: {  	[tilespmem:s7], [sflag:$0x2] =	stream.indirect_vreg.gather [hbm4b:s2+s3], $0x80, v3, vm0, $0xb8;
	[tilespmem:$0x10200] =	vst v63  }
0x130: {  	v3 =	vld [tilespmem:$0x1A0];
	_ =	sdelay $0x4  }
0x131: {  	v58 =	vshll.u32 v3, $0x1  }
0x132: {  	v3 =	vand.u32 $0x7, v3;
	v4 =	vand.u32 $0xFFFFFFF0, v58  }
0x133: {  	v3 =	vor.u32 v3, v4  }
0x134: {  	v4 =	vperm.xlane v3, v0;
	_ =	sdelay $0x1  }
0x135: {  	v3 =	vperm.xlane v3, v2;
	v4 =	vadd.s32 v1, v4;
	_ =	sdelay $0x1  }
0x136: {  	v3 =	vadd.s32 v1, v3;
	_ =	sdelay $0x2  }
0x137: {  	[tilespmem:s8], [sflag:$0x2] =	stream.indirect_vreg.gather [hbm4b:s2+s3], $0x80, v4, vm0, $0xb8;
	[tilespmem:$0x10200] =	vst v63  }
0x138: {  	_ = 	snop  }
0x139: {  	[tilespmem:s9], [sflag:$0x2] =	stream.indirect_vreg.gather [hbm4b:s2+s3], $0x80, v3, vm0, $0xb8;
	[tilespmem:$0x10200] =	vst v63  }
0x13a: {  	v3 =	vld [tilespmem:$0x1B0];
	_ =	sdelay $0x4  }
0x13b: {  	v59 =	vshll.u32 v3, $0x1  }
0x13c: {  	v3 =	vand.u32 $0x7, v3;
	v4 =	vand.u32 $0xFFFFFFF0, v59  }
0x13d: {  	v3 =	vor.u32 v3, v4  }
0x13e: {  	v4 =	vperm.xlane v3, v0;
	_ =	sdelay $0x1  }
0x13f: {  	v3 =	vperm.xlane v3, v2;
	v4 =	vadd.s32 v1, v4;
	_ =	sdelay $0x1  }
0x140: {  	v3 =	vadd.s32 v1, v3;
	_ =	sdelay $0x2  }
0x141: {  	[tilespmem:s10], [sflag:$0x2] =	stream.indirect_vreg.gather [hbm4b:s2+s3], $0x80, v4, vm0, $0xb8;
	[tilespmem:$0x10200] =	vst v63  }
0x142: {  	_ = 	snop  }
0x143: {  	[tilespmem:s11], [sflag:$0x2] =	stream.indirect_vreg.gather [hbm4b:s2+s3], $0x80, v3, vm0, $0xb8;
	[tilespmem:$0x10200] =	vst v63  }
0x144: {  	v3 =	vld [tilespmem:$0x1C0];
	_ =	sdelay $0x4  }
0x145: {  	v60 =	vshll.u32 v3, $0x1  }
0x146: {  	v3 =	vand.u32 $0x7, v3;
	v4 =	vand.u32 $0xFFFFFFF0, v60  }
0x147: {  	v3 =	vor.u32 v3, v4  }
0x148: {  	v4 =	vperm.xlane v3, v0;
	_ =	sdelay $0x1  }
0x149: {  	v3 =	vperm.xlane v3, v2;
	v4 =	vadd.s32 v1, v4;
	_ =	sdelay $0x1  }
0x14a: {  	v3 =	vadd.s32 v1, v3;
	_ =	sdelay $0x2  }
0x14b: {  	[tilespmem:s6], [sflag:$0x2] =	stream.indirect_vreg.gather [hbm4b:s2+s3], $0x80, v4, vm0, $0xb8;
	[tilespmem:$0x10200] =	vst v63  }
0x14c: {  	s14 =	simm.s32 $0xCA00  }
0x14d: {  	[tilespmem:s14], [sflag:$0x2] =	stream.indirect_vreg.gather [hbm4b:s2+s3], $0x80, v3, vm0, $0xb8;
	[tilespmem:$0x10200] =	vst v63  }
0x14e: {  	v3 =	vld [tilespmem:$0x1D0];
	_ =	sdelay $0x4  }
0x14f: {  	v61 =	vshll.u32 v3, $0x1  }
0x150: {  	v3 =	vand.u32 $0x7, v3;
	v4 =	vand.u32 $0xFFFFFFF0, v61  }
0x151: {  	v3 =	vor.u32 v3, v4  }
0x152: {  	v4 =	vperm.xlane v3, v0;
	_ =	sdelay $0x1  }
0x153: {  	v3 =	vperm.xlane v3, v2;
	v4 =	vadd.s32 v1, v4;
	_ =	sdelay $0x1  }
0x154: {  	v3 =	vadd.s32 v1, v3;
	_ =	sdelay $0x1  }
0x155: {  	s12 =	simm.s32 $0xD200  }
0x156: {  	[tilespmem:s12], [sflag:$0x2] =	stream.indirect_vreg.gather [hbm4b:s2+s3], $0x80, v4, vm0, $0xb8;
	[tilespmem:$0x10200] =	vst v63  }
0x157: {  	s14 =	simm.s32 $0xDA00  }
0x158: {  	[tilespmem:s14], [sflag:$0x2] =	stream.indirect_vreg.gather [hbm4b:s2+s3], $0x80, v3, vm0, $0xb8;
	[tilespmem:$0x10200] =	vst v63  }
0x159: {  	v3 =	vld [tilespmem:$0x1E0];
	_ =	sdelay $0x4  }
0x15a: {  	v62 =	vshll.u32 v3, $0x1  }
0x15b: {  	v3 =	vand.u32 $0x7, v3;
	v4 =	vand.u32 $0xFFFFFFF0, v62  }
0x15c: {  	v3 =	vor.u32 v3, v4  }
0x15d: {  	v4 =	vperm.xlane v3, v0;
	_ =	sdelay $0x1  }
0x15e: {  	v3 =	vperm.xlane v3, v2;
	v4 =	vadd.s32 v1, v4;
	_ =	sdelay $0x1  }
0x15f: {  	v3 =	vadd.s32 v1, v3;
	_ =	sdelay $0x1  }
0x160: {  	s12 =	simm.s32 $0xE200  }
0x161: {  	[tilespmem:s12], [sflag:$0x2] =	stream.indirect_vreg.gather [hbm4b:s2+s3], $0x80, v4, vm0, $0xb8;
	[tilespmem:$0x10200] =	vst v63  }
0x162: {  	s14 =	simm.s32 $0xEA00  }
0x163: {  	[tilespmem:s14], [sflag:$0x2] =	stream.indirect_vreg.gather [hbm4b:s2+s3], $0x80, v3, vm0, $0xb8;
	[tilespmem:$0x10200] =	vst v63  }
0x164: {  	v3 =	vld [tilespmem:$0x1F0];
	_ =	sdelay $0x4  }
0x165: {  	v63 =	vshll.u32 v3, $0x1  }
0x166: {  	v3 =	vand.u32 $0x7, v3;
	v4 =	vand.u32 $0xFFFFFFF0, v63  }
0x167: {  	v3 =	vor.u32 v3, v4  }
0x168: {  	v4 =	vperm.xlane v3, v0;
	_ =	sdelay $0x1  }
0x169: {  	v3 =	vperm.xlane v3, v2;
	v4 =	vadd.s32 v1, v4;
	_ =	sdelay $0x1  }
0x16a: {  	v3 =	vadd.s32 v1, v3;
	_ =	sdelay $0x1  }
0x16b: {  	s12 =	simm.s32 $0xF200  }
0x16c: {  	[tilespmem:s12], [sflag:$0x2] =	stream.indirect_vreg.gather [hbm4b:s2+s3], $0x80, v4, vm0, $0xb8;
	[tilespmem:$0x10200] =	vst v63  }
0x16d: {  	s14 =	simm.s32 $0xFA00  }
0x16e: {  	[tilespmem:s14], [sflag:$0x2] =	stream.indirect_vreg.gather [hbm4b:s2+s3], $0x80, v3, vm0, $0xb8;
	[tilespmem:$0x10200] =	vst v63  }
0x16f: {  	_ =	swait.ge [sflag:s1], $0x8000  }
0x170: {  	[sflag:s1] =	ssyncset.done $0x0  }
0x171: {  	s12 =	simm.s32 $0x200;
	s6 =	rddreg [dreg:$0x6];
	[sflag:s1] =	ssyncadd.s32 $0xFFFF8000  }
0x172: {  	[hbm4b:s6+s3] =	stream.linear.scatter [tilespmem:s12], [sflag:$0x3], $0x8000, $0x38;
	[tilespmem:$0x10200] =	vst v63  }
0x173: {  	_ =	swait.ge [sflag:s5], $0x8000  }
0x174: {  	[sflag:s5] =	ssyncset.done $0x0  }
0x175: {  	[sflag:s5] =	ssyncadd.s32 $0xFFFF8000  }
0x176: {  	_ =	swait.ge [sflag:s13], $0x8000  }
0x177: {  	p0 =	sne.s32 s4, $0x1;
	[sflag:s13] =	ssyncset.done $0x0  }
.Ltmp0:
0x178: {  	s12 =	rddreg [dreg:$0x7];
	[sflag:s13] =	ssyncadd.s32 $0xFFFF8000;
	(pc) =	sbr.rel @p0 .LBB2_1-.Ltmp0, $4  }
0x179: {  	[hbm4b:s12+s3] =	stream.linear.scatter [tilespmem:s0], [sflag:$0x3], $0x8000, $0x38;
	[tilespmem:$0x10200] =	vst v63  }
0x17a: {  	_ =	swait.ge [sflag:s5], $0x8000  }
0x17b: {  	[sflag:s5] =	ssyncset.done $0x0  }
0x17c: {  	s4 =	sadd.s32 $0xFFFFFFFF, s4;
	[sflag:s5] =	ssyncadd.s32 $0xFFFF8000  }
0x17d: {  	_ =	sfence.sel $0x180000  }
0x17e: {  	[bflag:$0x0] =	sbarrier.arrive $0xFFFF  }
0x17f: {  	_ =	strace $0x9000004A  }
0x180: {  	s0 =	stileid.u32;
	[bflag:$0x2] =	sbarrier.arrive $0xFFFF  }
0x181: {  	p0 =	sne.s32 s0, $0x0;
	s0 =	rddreg [dreg:$0x2]  }
0x182: {  	s0 =	sadd.s32 @!p0 $0x100000, s0  }
0x183: {  	[sflag:s0] =	ssyncadd.tile.s32 @!p0 $0x1;
	_ =	shalt  }
.Lfunc_end2:
_tile_overlayer_lowered:
.L_overlay_start_2:
0x184: {  	(tag) =	ssettag $0x2  }
0x185: {  	s0 =	rddreg [dreg:$0x0];
	s2 =	stileid.u32  }
0x186: {  	s1 =	rddreg [dreg:$0x1];
	p0 =	sne.s32 s2, $0x0  }
0x187: {  	s3 =	rddreg [dreg:$0x2];
	[bflag:$0x3] =	sbarrier.arrive $0xFFFF;
	s2 =	simm.s32 @!p0 $0x1C03  }
0x188: {  	[timem:s3], [sflag:s2] =	dma.local @!p0 [hbm:s0], s1  }
0x189: {  	s0 =	simm.s32 @!p0 $0x3  }
0x18a: {  	_ =	swait.ge @!p0 [sflag:s0], s1  }
0x18b: {  	s1 =	ssub.s32 @!p0 $0x0, s1;
	[sflag:s0] =	ssyncset.done @!p0 $0x0  }
0x18c: {  	[sflag:s0] =	ssyncadd.s32 @!p0 s1  }
0x18d: {  	[bflag:$0x3] =	sbarrier.arrive $0xFFFF  }
0x18e: {  	_ =	shalt  }

</sc_bundles>
